<compile_context>
chip_gen: v7x
topology: tpu7x:2x2x1
jax: 0.10.2.dev20260603
libtpu: 0.0.44.dev20260713+nightly
codegen_flags: <defaults>
</compile_context>

<pallas_src>
import math

import jax
import jax.numpy as jnp
from jax import lax
from jax.experimental import pallas as pl
from jax.experimental.pallas import tpu as pltpu
from jax.experimental.pallas import tpu_sc as plsc

RO = 4.0
N_ADJ = 4
KS = 2 * N_ADJ + 1
DILS = [1, 1, 1, 2, 2, 4, 4]
BN_INV = 1.0 / math.sqrt(1.0 + 1e-5)

B_, C_, H_, W_ = 2, 128, 256, 256
P_, N_ = 8, 128
PTS = B_ * P_ * N_
NW = 32
PPW = PTS // NW
NG = PPW // 16



def _sc_gather_body(feat, sx, sy, out, sxv, syv, idx0, idx1,
                    rows0, rows1, sem):
    wid = lax.axis_index("s") * 2 + lax.axis_index("c")
    base = wid * PPW
    b_off = (base // (P_ * N_)) * (H_ * W_)

    pltpu.sync_copy(sx.at[pl.ds(base, PPW)], sxv)
    pltpu.sync_copy(sy.at[pl.ds(base, PPW)], syv)

    for g in range(NG):
        xs = sxv[pl.ds(g * 16, 16)] * (1.0 / RO) - 0.5
        ys = syv[pl.ds(g * 16, 16)] * (1.0 / RO) - 0.5
        xt = xs.astype(jnp.int32)
        x0 = jnp.where(xt.astype(jnp.float32) > xs, xt - 1, xt)
        yt = ys.astype(jnp.int32)
        y0 = jnp.where(yt.astype(jnp.float32) > ys, yt - 1, yt)
        s = jnp.clip(x0, 0, W_ - 1)
        idx0[pl.ds(g * 16, 16)] = b_off + jnp.clip(y0, 0, H_ - 1) * W_ + s
        idx1[pl.ds(g * 16, 16)] = b_off + jnp.clip(y0 + 1, 0, H_ - 1) * W_ + s

    cp0 = pltpu.async_copy(feat.at[idx0], rows0, sem.at[0])
    cp1 = pltpu.async_copy(feat.at[idx1], rows1, sem.at[1])
    cp0.wait()
    cp1.wait()

    pltpu.sync_copy(rows0, out.at[pl.ds(0 * PTS + base, PPW)])
    pltpu.sync_copy(rows1, out.at[pl.ds(1 * PTS + base, PPW)])


def _sc_gather(feat_i32, sx, sy):
    mesh = plsc.VectorSubcoreMesh(core_axis_name="c", subcore_axis_name="s")
    return pl.kernel(
        _sc_gather_body,
        out_type=jax.ShapeDtypeStruct((2 * PTS, C_), jnp.int32),
        mesh=mesh,
        compiler_params=pltpu.CompilerParams(needs_layout_passes=False),
        scratch_types=[
            pltpu.VMEM((PPW,), jnp.float32),
            pltpu.VMEM((PPW,), jnp.float32),
            pltpu.VMEM((PPW,), jnp.int32),
            pltpu.VMEM((PPW,), jnp.int32),
            pltpu.VMEM((PPW, C_), jnp.int32),
            pltpu.VMEM((PPW, C_), jnp.int32),
            pltpu.SemaphoreType.DMA((2,)),
        ],
    )(feat_i32, sx, sy)



YB = 8


def _tc_pack_body(feat, out):
    for i in range(YB):
        xt = jnp.swapaxes(feat[0, :, i, :], 0, 1)
        xs = jnp.concatenate([xt[1:], xt[:1]], axis=0)
        a16 = jax.lax.bitcast_convert_type(
            xt.astype(jnp.bfloat16), jnp.uint16).astype(jnp.uint32)
        b16 = jax.lax.bitcast_convert_type(
            xs.astype(jnp.bfloat16), jnp.uint16).astype(jnp.uint32)
        out[pl.ds(i * W_, W_), :] = jax.lax.bitcast_convert_type(
            a16 | (b16 << 16), jnp.int32)


def _tc_pack(cnn_feature):
    return pl.pallas_call(
        _tc_pack_body,
        grid=(B_, H_ // YB),
        in_specs=[pl.BlockSpec((1, C_, YB, W_), lambda b, y: (b, 0, y, 0))],
        out_specs=pl.BlockSpec((YB * W_, C_), lambda b, y: (b * (H_ // YB) + y, 0)),
        out_shape=jax.ShapeDtypeStruct((B_ * H_ * W_, C_), jnp.int32),
    )(cnn_feature)



TC_GRID = 1
PB = (B_ * P_) // TC_GRID
MROWS = PB * N_


def _rolled_taps(x, dil):
    c = x.shape[-1]
    x3 = x.reshape(PB, N_, c)
    taps = []
    for k in range(KS):
        s = ((k - N_ADJ) * dil) % N_
        if s == 0:
            taps.append(x)
        else:
            taps.append(
                jnp.concatenate([x3[:, s:, :], x3[:, :s, :]], axis=1)
                .reshape(MROWS, c))
    return jnp.concatenate(taps, axis=1)


def _tc_snake_body(rows2, sn, headw, resw, bias8, scale8, shift8,
                   fusw, fusb, p0w, p0b, p1w, p1b, p2w, p2b, out):
    snv = sn[:]
    sn3 = snv.reshape(PB, N_, 2)
    mins = jnp.min(sn3, axis=1, keepdims=True)
    coords = (sn3 - mins).reshape(MROWS, 2)

    x = snv[:, 0:1] * (1.0 / RO) - 0.5
    y = snv[:, 1:2] * (1.0 / RO) - 0.5
    x0 = jnp.floor(x)
    y0 = jnp.floor(y)
    fx = x - x0
    fy = y - y0
    in_x = ((x0 >= 0.0) & (x0 <= W_ - 1.0)).astype(jnp.float32)
    wa = (1.0 - fx) * in_x + fx * (x0 == -1.0).astype(jnp.float32)
    wb = fx * ((x0 >= 0.0) & (x0 <= W_ - 2.0)).astype(jnp.float32)
    wy0 = (1.0 - fy) * ((y0 >= 0.0) & (y0 <= H_ - 1.0)).astype(jnp.float32)
    y1 = y0 + 1.0
    wy1 = fy * ((y1 >= 0.0) & (y1 <= H_ - 1.0)).astype(jnp.float32)
    def unpack(v):
        u = v.astype(jnp.uint32)
        a = jax.lax.bitcast_convert_type(
            (u & 0xFFFF).astype(jnp.uint16), jnp.bfloat16)
        b = jax.lax.bitcast_convert_type(
            (u >> 16).astype(jnp.uint16), jnp.bfloat16)
        return a.astype(jnp.float32), b.astype(jnp.float32)

    a0, b0 = unpack(rows2[0])
    a1, b1 = unpack(rows2[1])
    gat_acc = ((a0 * wy0 + a1 * wy1) * wa
               + (b0 * wy0 + b1 * wy1) * wb)

    def block(x, wt, k, dil):
        s = _rolled_taps(x, dil).astype(jnp.bfloat16)
        y = jnp.dot(s, wt, preferred_element_type=jnp.float32)
        y = jnp.maximum(y + bias8[k, :].reshape(1, -1), 0.0)
        return y * scale8[k, :].reshape(1, -1) + shift8[k, :].reshape(1, -1)

    x = jnp.concatenate([gat_acc, coords], axis=1)
    x = block(x, headw[:], 0, 1)
    states = [x]
    for i, d in enumerate(DILS):
        x = block(x, resw[i], i + 1, d) + x
        states.append(x)
    state = jnp.concatenate(states, axis=1)

    state_bf = state.astype(jnp.bfloat16)
    fused = (jnp.dot(state_bf, fusw[:], preferred_element_type=jnp.float32)
             + fusb[:])
    g = jnp.max(fused.reshape(PB, N_, -1), axis=1, keepdims=True)
    gb = jnp.broadcast_to(g, (PB, N_, g.shape[-1])).reshape(MROWS, -1)
    st2 = jnp.concatenate([gb.astype(jnp.bfloat16), state_bf], axis=1)

    h = jnp.maximum(jnp.dot(st2, p0w[:], preferred_element_type=jnp.float32)
                    + p0b[:], 0.0).astype(jnp.bfloat16)
    h = jnp.maximum(jnp.dot(h, p1w[:], preferred_element_type=jnp.float32)
                    + p1b[:], 0.0).astype(jnp.bfloat16)
    off = jnp.dot(h, p2w[:], preferred_element_type=jnp.float32) + p2b[:]
    out[:] = snv + off


def _tc_snake(rows2, sn, wdict):
    full = lambda a: pl.BlockSpec(a.shape, lambda i: (0,) * a.ndim)
    row_spec = lambda a: pl.BlockSpec((MROWS,) + a.shape[1:],
                                      lambda i: (i,) + (0,) * (a.ndim - 1))
    rows2_spec = pl.BlockSpec((2, MROWS, C_), lambda i: (0, i, 0))
    ins = [rows2, sn, wdict['headw'], wdict['resw'], wdict['bias8'],
           wdict['scale8'], wdict['shift8'], wdict['fusw'], wdict['fusb'],
           wdict['p0w'], wdict['p0b'], wdict['p1w'], wdict['p1b'],
           wdict['p2w'], wdict['p2b']]
    specs = [rows2_spec, row_spec(sn)] + [full(a) for a in ins[2:]]
    return pl.pallas_call(
        _tc_snake_body,
        grid=(TC_GRID,),
        in_specs=specs,
        out_specs=pl.BlockSpec((MROWS, 2), lambda i: (i, 0)),
        out_shape=jax.ShapeDtypeStruct((PTS, 2), jnp.float32),
    )(*ins)


def _prep_weights(params):
    p = params
    w = {}
    bf = jnp.bfloat16
    w['headw'] = p['head_w'].transpose(2, 1, 0).reshape(
        KS * (C_ + 2), C_).astype(bf)
    w['resw'] = jnp.stack(
        [p['res%d_w' % i].transpose(2, 1, 0).reshape(KS * C_, C_)
         for i in range(7)]).astype(bf)
    w['bias8'] = jnp.stack([p['head_b']] + [p['res%d_b' % i] for i in range(7)])
    w['scale8'] = jnp.stack(
        [p['head_g']] + [p['res%d_g' % i] for i in range(7)]) * BN_INV
    w['shift8'] = jnp.stack(
        [p['head_bt']] + [p['res%d_bt' % i] for i in range(7)])
    w['fusw'] = p['fusion_w'][:, :, 0].T.astype(bf)
    w['fusb'] = p['fusion_b'].reshape(1, -1)
    w['p0w'] = p['p0_w'][:, :, 0].T.astype(bf)
    w['p0b'] = p['p0_b'].reshape(1, -1)
    w['p1w'] = p['p1_w'][:, :, 0].T.astype(bf)
    w['p1b'] = p['p1_b'].reshape(1, -1)
    w['p2w'] = p['p2_w'][:, :, 0].T.astype(bf)
    w['p2b'] = p['p2_b'].reshape(1, -1)
    return w


@jax.jit
def _run(cnn_feature, snakes, params):
    feat_i32 = _tc_pack(cnn_feature)
    sn = snakes.reshape(PTS, 2)
    rows2 = _sc_gather(feat_i32, sn[:, 0], sn[:, 1]).reshape(2, PTS, C_)
    w = _prep_weights(params)
    out = _tc_snake(rows2, sn, w)
    return out.reshape(B_ * P_, N_, 2)


def kernel(cnn_feature, snakes, params):
    return _run(cnn_feature, snakes, params)

# --- scband reference (transcript-rebuilt; emitter-appended) ---
"""Pipeline reference for scband-snake-decoder-head-28518582845736 (READ-ONLY COPY).

The authoritative reference and input builder live on the scoring server;
editing this copy changes nothing except your own understanding.
"""

import jax, jax.numpy as jnp
import numpy as np

RO = 4.0
N_ADJ = 4
STATE_DIM = 128
FEATURE_DIM = 128

def _conv1d(x, w, b, dilation=1):
    y = jax.lax.conv_general_dilated(x, w, window_strides=(1,), padding='VALID',
                                     rhs_dilation=(dilation,),
                                     dimension_numbers=('NCH', 'OIH', 'NCH'))
    return y + b[None, :, None]

def _circ_conv(x, w, b, dilation):
    pad = N_ADJ * dilation
    xp = jnp.concatenate([x[..., -pad:], x, x[..., :pad]], axis=2)
    return _conv1d(xp, w, b, dilation)

def _bn_eval(x, gamma, beta):
    inv = 1.0 / jnp.sqrt(1.0 + 1e-5)
    return x * (gamma * inv)[None, :, None] + beta[None, :, None]

def _basic_block(x, w, b, g, bt, dilation):
    x = _circ_conv(x, w, b, dilation)
    x = jax.nn.relu(x)
    return _bn_eval(x, g, bt)

def _snake(x, p):
    x = _basic_block(x, p['head_w'], p['head_b'], p['head_g'], p['head_bt'], 1)
    states = [x]
    dil = [1, 1, 1, 2, 2, 4, 4]
    for i in range(7):
        x = _basic_block(x, p['res%d_w' % i], p['res%d_b' % i], p['res%d_g' % i], p['res%d_bt' % i], dil[i]) + x
        states.append(x)
    state = jnp.concatenate(states, axis=1)
    fused = _conv1d(state, p['fusion_w'], p['fusion_b'])
    g = jnp.max(fused, axis=2, keepdims=True)
    g = jnp.broadcast_to(g, (g.shape[0], g.shape[1], state.shape[2]))
    state = jnp.concatenate([g, state], axis=1)
    x = jax.nn.relu(_conv1d(state, p['p0_w'], p['p0_b']))
    x = jax.nn.relu(_conv1d(x, p['p1_w'], p['p1_b']))
    return _conv1d(x, p['p2_w'], p['p2_b'])

def _grid_sample(feat, grid):
    # feat: [C, H, W], grid: [P, N, 2] normalized coords, bilinear, zeros padding, align_corners=False
    C, H, W = feat.shape
    x = (grid[..., 0] + 1.0) * W / 2.0 - 0.5
    y = (grid[..., 1] + 1.0) * H / 2.0 - 0.5
    x0 = jnp.floor(x); y0 = jnp.floor(y)
    x1 = x0 + 1.0; y1 = y0 + 1.0
    wx1 = x - x0; wx0 = 1.0 - wx1
    wy1 = y - y0; wy0 = 1.0 - wy1
    def gather(xi, yi):
        valid = ((xi >= 0) & (xi <= W - 1) & (yi >= 0) & (yi <= H - 1)).astype(feat.dtype)
        xc = jnp.clip(xi, 0, W - 1).astype(jnp.int32)
        yc = jnp.clip(yi, 0, H - 1).astype(jnp.int32)
        return feat[:, yc, xc] * valid[None]
    return (gather(x0, y0) * (wx0 * wy0)[None] + gather(x1, y0) * (wx1 * wy0)[None]
            + gather(x0, y1) * (wx0 * wy1)[None] + gather(x1, y1) * (wx1 * wy1)[None])

def _forward(cnn_feature, snakes, params):
    B, C, H, W = cnn_feature.shape
    P, N = snakes.shape[1], snakes.shape[2]
    # all batch items have the same (full) poly count, so ct_01 is all ones and
    # collect-by-mask is a plain batch-major flatten; py_ind = [0]*P ++ [1]*P ...
    i_it_py = snakes.reshape(B * P, N, 2) / RO
    mins = jnp.min(i_it_py, axis=1, keepdims=True)
    c_it_py = i_it_py - mins
    gx = i_it_py[..., 0] / (W / 2.0) - 1.0
    gy = i_it_py[..., 1] / (H / 2.0) - 1.0
    grid = jnp.stack([gx, gy], axis=-1)
    feats = []
    for i in range(B):
        f = _grid_sample(cnn_feature[i], grid[i * P:(i + 1) * P])  # [C, P, N]
        feats.append(jnp.transpose(f, (1, 0, 2)))
    init_feature = jnp.concatenate(feats, axis=0)  # [B*P, C, N]
    c_scaled = c_it_py * RO
    init_input = jnp.concatenate([init_feature, jnp.transpose(c_scaled, (0, 2, 1))], axis=1)
    offset = _snake(init_input, params)  # [B*P, 2, N]; adj unused for conv_type='dgrid'
    i_poly = i_it_py * RO + jnp.transpose(offset, (0, 2, 1))
    return i_poly

def setup_inputs(seed: int = 0):
    key = jax.random.key(seed)
    ks = jax.random.split(key, 32)
    cnn_feature = jax.random.normal(ks[0], (2, 128, 256, 256), dtype=jnp.float32)
    snakes = jax.random.uniform(ks[1], (2, 8, 128, 2), dtype=jnp.float32)
    sd = STATE_DIM
    fd = FEATURE_DIM + 2
    k = 2 * N_ADJ + 1
    p = {}
    p['head_w'] = jax.random.normal(ks[2], (sd, fd, k), dtype=jnp.float32) * 0.01
    p['head_b'] = jnp.zeros((sd,), dtype=jnp.float32)
    p['head_g'] = jnp.ones((sd,), dtype=jnp.float32)
    p['head_bt'] = jnp.zeros((sd,), dtype=jnp.float32)
    for i in range(7):
        p['res%d_w' % i] = jax.random.normal(ks[3 + i], (sd, sd, k), dtype=jnp.float32) * 0.01
        p['res%d_b' % i] = jnp.zeros((sd,), dtype=jnp.float32)
        p['res%d_g' % i] = jnp.ones((sd,), dtype=jnp.float32)
        p['res%d_bt' % i] = jnp.zeros((sd,), dtype=jnp.float32)
    p['fusion_w'] = jax.random.normal(ks[12], (256, sd * 8, 1), dtype=jnp.float32) * 0.01
    p['fusion_b'] = jnp.zeros((256,), dtype=jnp.float32)
    p['p0_w'] = jax.random.normal(ks[13], (256, sd * 8 + 256, 1), dtype=jnp.float32) * 0.01
    p['p0_b'] = jnp.zeros((256,), dtype=jnp.float32)
    p['p1_w'] = jax.random.normal(ks[14], (64, 256, 1), dtype=jnp.float32) * 0.01
    p['p1_b'] = jnp.zeros((64,), dtype=jnp.float32)
    p['p2_w'] = jax.random.normal(ks[15], (2, 64, 1), dtype=jnp.float32) * 0.01
    p['p2_b'] = jnp.zeros((2,), dtype=jnp.float32)
    return {'cnn_feature': cnn_feature, 'snakes': snakes, 'params': p}

def reference(cnn_feature, snakes, params):
    return _forward(cnn_feature, snakes, params)

if __name__ == "__main__":
    import jax
    _d = setup_inputs()
    print(jax.jit(kernel)(*tuple(_d.values())))

</pallas_src>

<mosaic_0001>
#map = affine_map<(d0, d1) -> (0, 0)>
#map1 = affine_map<(d0, d1) -> (0)>
module attributes {stable_mosaic.version = 14 : i64} {
  func.func @_sc_gather_body(%arg0: i32, %arg1: i32, %arg2: memref<131072x128xi32, #tpu.memory_space<hbm>>, %arg3: memref<2048xf32, #tpu.memory_space<hbm>>, %arg4: memref<2048xf32, #tpu.memory_space<hbm>>, %arg5: memref<4096x128xi32, #tpu.memory_space<hbm>>, %arg6: memref<64xf32, #tpu.memory_space<vmem>>, %arg7: memref<64xf32, #tpu.memory_space<vmem>>, %arg8: memref<64xi32, #tpu.memory_space<vmem>>, %arg9: memref<64xi32, #tpu.memory_space<vmem>>, %arg10: memref<64x128xi32, #tpu.memory_space<vmem>>, %arg11: memref<64x128xi32, #tpu.memory_space<vmem>>, %arg12: memref<2x!tpu.dma_semaphore, #tpu.memory_space<semaphore_mem>>) attributes {dimension_semantics = [#tpu.dimension_semantics<core_parallel>, #tpu.dimension_semantics<subcore_parallel>], iteration_bounds = array<i64: 2, 16>, scalar_prefetch = 0 : i64, scratch_operands = 7 : i64, tpu.core_type = #tpu.core_type<sc_vector_subcore>, window_params = [{transform_indices = #map}, {transform_indices = #map1}, {transform_indices = #map1}, {transform_indices = #map}]} {
    %mul3A = arith.constant 2 : i32
    %mul3A_0 = arith.muli %arg1, %mul3A : i32
    %add3A = arith.addi %mul3A_0, %arg0 : i32
    %mul3A_1 = arith.constant 64 : i32
    %mul3A_2 = arith.muli %add3A, %mul3A_1 : i32
    %jit3A = arith.constant 1024 : i32
    %div3A = arith.divsi %mul3A_2, %jit3A : i32
    %sign3A = arith.constant 0 : i32
    %sign3A_3 = arith.cmpi sgt, %mul3A_2, %sign3A : i32
    %sign3A_4 = arith.extui %sign3A_3 : i1 to i32
    %sign3A_5 = arith.constant 0 : i32
    %sign3A_6 = arith.cmpi slt, %mul3A_2, %sign3A_5 : i32
    %sign3A_7 = arith.extui %sign3A_6 : i1 to i32
    %sign3A_8 = arith.subi %sign3A_4, %sign3A_7 : i32
    %sign3A_9 = arith.constant 0 : i32
    %sign3A_10 = arith.cmpi sgt, %jit3A, %sign3A_9 : i32
    %sign3A_11 = arith.extui %sign3A_10 : i1 to i32
    %sign3A_12 = arith.constant 0 : i32
    %sign3A_13 = arith.cmpi slt, %jit3A, %sign3A_12 : i32
    %sign3A_14 = arith.extui %sign3A_13 : i1 to i32
    %sign3A_15 = arith.subi %sign3A_11, %sign3A_14 : i32
    %ne3A = arith.cmpi ne, %sign3A_8, %sign3A_15 : i32
    %rem3A = arith.remsi %mul3A_2, %jit3A : i32
    %ne3A_16 = arith.constant 0 : i32
    %ne3A_17 = arith.cmpi ne, %rem3A, %ne3A_16 : i32
    %and3A = arith.andi %ne3A, %ne3A_17 : i1
    %sub3A = arith.constant 1 : i32
    %sub3A_18 = arith.subi %div3A, %sub3A : i32
    %select_n3A = arith.select %and3A, %sub3A_18, %div3A : i32
    %mul3A_19 = arith.constant 65536 : i32
    %mul3A_20 = arith.muli %select_n3A, %mul3A_19 : i32
    "tpu.region"() ({
      %run_scoped3A = tpu.sem_alloc : memref<!tpu.dma_semaphore, #tpu.memory_space<semaphore_mem>>
      %dma_start3A_309 = tpu.memref_slice %arg3[%mul3A_2] : memref<2048xf32, #tpu.memory_space<hbm>> -> memref<64xf32, #tpu.memory_space<hbm>>
      %dma_start3A_310 = tpu.memref_slice %arg3[%mul3A_2] : memref<2048xf32, #tpu.memory_space<hbm>> -> memref<64xf32, #tpu.memory_space<hbm>>
      tpu.enqueue_dma source(%dma_start3A_310 : memref<64xf32, #tpu.memory_space<hbm>>) target(%arg6 : memref<64xf32, #tpu.memory_space<vmem>>) target_semaphore(%run_scoped3A : memref<!tpu.dma_semaphore, #tpu.memory_space<semaphore_mem>>)
      %dma_wait3A_311 = tpu.memref_slice %arg3[%mul3A_2] : memref<2048xf32, #tpu.memory_space<hbm>> -> memref<64xf32, #tpu.memory_space<hbm>>
      %dma_wait3A_312 = tpu.memref_slice %arg3[%mul3A_2] : memref<2048xf32, #tpu.memory_space<hbm>> -> memref<64xf32, #tpu.memory_space<hbm>>
      tpu.wait_dma2 semaphore(%run_scoped3A : memref<!tpu.dma_semaphore, #tpu.memory_space<semaphore_mem>>) src(%dma_wait3A_312 : memref<64xf32, #tpu.memory_space<hbm>>) dst(%arg6 : memref<64xf32, #tpu.memory_space<vmem>>)
      tpu.yield
    }) : () -> ()
    "tpu.region"() ({
      %run_scoped3A = tpu.sem_alloc : memref<!tpu.dma_semaphore, #tpu.memory_space<semaphore_mem>>
      %dma_start3A_309 = tpu.memref_slice %arg4[%mul3A_2] : memref<2048xf32, #tpu.memory_space<hbm>> -> memref<64xf32, #tpu.memory_space<hbm>>
      %dma_start3A_310 = tpu.memref_slice %arg4[%mul3A_2] : memref<2048xf32, #tpu.memory_space<hbm>> -> memref<64xf32, #tpu.memory_space<hbm>>
      tpu.enqueue_dma source(%dma_start3A_310 : memref<64xf32, #tpu.memory_space<hbm>>) target(%arg7 : memref<64xf32, #tpu.memory_space<vmem>>) target_semaphore(%run_scoped3A : memref<!tpu.dma_semaphore, #tpu.memory_space<semaphore_mem>>)
      %dma_wait3A_311 = tpu.memref_slice %arg4[%mul3A_2] : memref<2048xf32, #tpu.memory_space<hbm>> -> memref<64xf32, #tpu.memory_space<hbm>>
      %dma_wait3A_312 = tpu.memref_slice %arg4[%mul3A_2] : memref<2048xf32, #tpu.memory_space<hbm>> -> memref<64xf32, #tpu.memory_space<hbm>>
      tpu.wait_dma2 semaphore(%run_scoped3A : memref<!tpu.dma_semaphore, #tpu.memory_space<semaphore_mem>>) src(%dma_wait3A_312 : memref<64xf32, #tpu.memory_space<hbm>>) dst(%arg7 : memref<64xf32, #tpu.memory_space<vmem>>)
      tpu.yield
    }) : () -> ()
    %get3A = arith.constant 0 : index
    %get3A_21 = tpu.vector_load %arg6[%get3A] {strides = array<i32>} : memref<64xf32, #tpu.memory_space<vmem>>, vector<16xf32>,
    %mul3A_22 = arith.constant 2.500000e-01 : f32
    %mul3A_23 = vector.broadcast %mul3A_22 : f32 to vector<16xf32>
    %mul3A_24 = arith.mulf %get3A_21, %mul3A_23 : vector<16xf32>
    %sub3A_25 = arith.constant 5.000000e-01 : f32
    %sub3A_26 = vector.broadcast %sub3A_25 : f32 to vector<16xf32>
    %sub3A_27 = arith.subf %mul3A_24, %sub3A_26 : vector<16xf32>
    %get3A_28 = arith.constant 0 : index
    %get3A_29 = tpu.vector_load %arg7[%get3A_28] {strides = array<i32>} : memref<64xf32, #tpu.memory_space<vmem>>, vector<16xf32>,
    %mul3A_30 = arith.constant 2.500000e-01 : f32
    %mul3A_31 = vector.broadcast %mul3A_30 : f32 to vector<16xf32>
    %mul3A_32 = arith.mulf %get3A_29, %mul3A_31 : vector<16xf32>
    %sub3A_33 = arith.constant 5.000000e-01 : f32
    %sub3A_34 = vector.broadcast %sub3A_33 : f32 to vector<16xf32>
    %sub3A_35 = arith.subf %mul3A_32, %sub3A_34 : vector<16xf32>
    %convert_element_type3A = arith.fptosi %sub3A_27 : vector<16xf32> to vector<16xi32>
    %convert_element_type3A_36 = arith.sitofp %convert_element_type3A : vector<16xi32> to vector<16xf32>
    %gt3A = arith.cmpf ogt, %convert_element_type3A_36, %sub3A_27 : vector<16xf32>
    %sub3A_37 = arith.constant 1 : i32
    %sub3A_38 = vector.broadcast %sub3A_37 : i32 to vector<16xi32>
    %sub3A_39 = arith.subi %convert_element_type3A, %sub3A_38 : vector<16xi32>
    %select_n3A_40 = arith.select %gt3A, %sub3A_39, %convert_element_type3A : vector<16xi1>, vector<16xi32>
    %convert_element_type3A_41 = arith.fptosi %sub3A_35 : vector<16xf32> to vector<16xi32>
    %convert_element_type3A_42 = arith.sitofp %convert_element_type3A_41 : vector<16xi32> to vector<16xf32>
    %gt3A_43 = arith.cmpf ogt, %convert_element_type3A_42, %sub3A_35 : vector<16xf32>
    %sub3A_44 = arith.constant 1 : i32
    %sub3A_45 = vector.broadcast %sub3A_44 : i32 to vector<16xi32>
    %sub3A_46 = arith.subi %convert_element_type3A_41, %sub3A_45 : vector<16xi32>
    %select_n3A_47 = arith.select %gt3A_43, %sub3A_46, %convert_element_type3A_41 : vector<16xi1>, vector<16xi32>
    %jit3A_48 = arith.constant 0 : i32
    %jit3A_49 = arith.constant 255 : i32
    %max3A = vector.broadcast %jit3A_48 : i32 to vector<16xi32>
    %max3A_50 = arith.maxsi %max3A, %select_n3A_40 : vector<16xi32>
    %min3A = vector.broadcast %jit3A_49 : i32 to vector<16xi32>
    %min3A_51 = arith.minsi %min3A, %max3A_50 : vector<16xi32>
    %jit3A_52 = arith.constant 0 : i32
    %jit3A_53 = arith.constant 255 : i32
    %max3A_54 = vector.broadcast %jit3A_52 : i32 to vector<16xi32>
    %max3A_55 = arith.maxsi %max3A_54, %select_n3A_47 : vector<16xi32>
    %min3A_56 = vector.broadcast %jit3A_53 : i32 to vector<16xi32>
    %min3A_57 = arith.minsi %min3A_56, %max3A_55 : vector<16xi32>
    %mul3A_58 = arith.constant 256 : i32
    %mul3A_59 = vector.broadcast %mul3A_58 : i32 to vector<16xi32>
    %mul3A_60 = arith.muli %min3A_57, %mul3A_59 : vector<16xi32>
    %add3A_61 = vector.broadcast %mul3A_20 : i32 to vector<16xi32>
    %add3A_62 = arith.addi %add3A_61, %mul3A_60 : vector<16xi32>
    %add3A_63 = arith.addi %add3A_62, %min3A_51 : vector<16xi32>
    %swap3A = arith.constant 0 : index
    %swap3A_64 = tpu.vector_load %arg8[%swap3A] {strides = array<i32>} : memref<64xi32, #tpu.memory_space<vmem>>, vector<16xi32>,
    tpu.vector_store %arg8[%swap3A], %add3A_63 {strides = array<i32>} : memref<64xi32, #tpu.memory_space<vmem>>, vector<16xi32>,
    %add3A_65 = arith.constant 1 : i32
    %add3A_66 = vector.broadcast %add3A_65 : i32 to vector<16xi32>
    %add3A_67 = arith.addi %select_n3A_47, %add3A_66 : vector<16xi32>
    %jit3A_68 = arith.constant 0 : i32
    %jit3A_69 = arith.constant 255 : i32
    %max3A_70 = vector.broadcast %jit3A_68 : i32 to vector<16xi32>
    %max3A_71 = arith.maxsi %max3A_70, %add3A_67 : vector<16xi32>
    %min3A_72 = vector.broadcast %jit3A_69 : i32 to vector<16xi32>
    %min3A_73 = arith.minsi %min3A_72, %max3A_71 : vector<16xi32>
    %mul3A_74 = arith.constant 256 : i32
    %mul3A_75 = vector.broadcast %mul3A_74 : i32 to vector<16xi32>
    %mul3A_76 = arith.muli %min3A_73, %mul3A_75 : vector<16xi32>
    %add3A_77 = vector.broadcast %mul3A_20 : i32 to vector<16xi32>
    %add3A_78 = arith.addi %add3A_77, %mul3A_76 : vector<16xi32>
    %add3A_79 = arith.addi %add3A_78, %min3A_51 : vector<16xi32>
    %swap3A_80 = arith.constant 0 : index
    %swap3A_81 = tpu.vector_load %arg9[%swap3A_80] {strides = array<i32>} : memref<64xi32, #tpu.memory_space<vmem>>, vector<16xi32>,
    tpu.vector_store %arg9[%swap3A_80], %add3A_79 {strides = array<i32>} : memref<64xi32, #tpu.memory_space<vmem>>, vector<16xi32>,
    %get3A_82 = arith.constant 16 : index
    %get3A_83 = tpu.vector_load %arg6[%get3A_82] {strides = array<i32>} : memref<64xf32, #tpu.memory_space<vmem>>, vector<16xf32>,
    %mul3A_84 = arith.constant 2.500000e-01 : f32
    %mul3A_85 = vector.broadcast %mul3A_84 : f32 to vector<16xf32>
    %mul3A_86 = arith.mulf %get3A_83, %mul3A_85 : vector<16xf32>
    %sub3A_87 = arith.constant 5.000000e-01 : f32
    %sub3A_88 = vector.broadcast %sub3A_87 : f32 to vector<16xf32>
    %sub3A_89 = arith.subf %mul3A_86, %sub3A_88 : vector<16xf32>
    %get3A_90 = arith.constant 16 : index
    %get3A_91 = tpu.vector_load %arg7[%get3A_90] {strides = array<i32>} : memref<64xf32, #tpu.memory_space<vmem>>, vector<16xf32>,
    %mul3A_92 = arith.constant 2.500000e-01 : f32
    %mul3A_93 = vector.broadcast %mul3A_92 : f32 to vector<16xf32>
    %mul3A_94 = arith.mulf %get3A_91, %mul3A_93 : vector<16xf32>
    %sub3A_95 = arith.constant 5.000000e-01 : f32
    %sub3A_96 = vector.broadcast %sub3A_95 : f32 to vector<16xf32>
    %sub3A_97 = arith.subf %mul3A_94, %sub3A_96 : vector<16xf32>
    %convert_element_type3A_98 = arith.fptosi %sub3A_89 : vector<16xf32> to vector<16xi32>
    %convert_element_type3A_99 = arith.sitofp %convert_element_type3A_98 : vector<16xi32> to vector<16xf32>
    %gt3A_100 = arith.cmpf ogt, %convert_element_type3A_99, %sub3A_89 : vector<16xf32>
    %sub3A_101 = arith.constant 1 : i32
    %sub3A_102 = vector.broadcast %sub3A_101 : i32 to vector<16xi32>
    %sub3A_103 = arith.subi %convert_element_type3A_98, %sub3A_102 : vector<16xi32>
    %select_n3A_104 = arith.select %gt3A_100, %sub3A_103, %convert_element_type3A_98 : vector<16xi1>, vector<16xi32>
    %convert_element_type3A_105 = arith.fptosi %sub3A_97 : vector<16xf32> to vector<16xi32>
    %convert_element_type3A_106 = arith.sitofp %convert_element_type3A_105 : vector<16xi32> to vector<16xf32>
    %gt3A_107 = arith.cmpf ogt, %convert_element_type3A_106, %sub3A_97 : vector<16xf32>
    %sub3A_108 = arith.constant 1 : i32
    %sub3A_109 = vector.broadcast %sub3A_108 : i32 to vector<16xi32>
    %sub3A_110 = arith.subi %convert_element_type3A_105, %sub3A_109 : vector<16xi32>
    %select_n3A_111 = arith.select %gt3A_107, %sub3A_110, %convert_element_type3A_105 : vector<16xi1>, vector<16xi32>
    %jit3A_112 = arith.constant 0 : i32
    %jit3A_113 = arith.constant 255 : i32
    %max3A_114 = vector.broadcast %jit3A_112 : i32 to vector<16xi32>
    %max3A_115 = arith.maxsi %max3A_114, %select_n3A_104 : vector<16xi32>
    %min3A_116 = vector.broadcast %jit3A_113 : i32 to vector<16xi32>
    %min3A_117 = arith.minsi %min3A_116, %max3A_115 : vector<16xi32>
    %jit3A_118 = arith.constant 0 : i32
    %jit3A_119 = arith.constant 255 : i32
    %max3A_120 = vector.broadcast %jit3A_118 : i32 to vector<16xi32>
    %max3A_121 = arith.maxsi %max3A_120, %select_n3A_111 : vector<16xi32>
    %min3A_122 = vector.broadcast %jit3A_119 : i32 to vector<16xi32>
    %min3A_123 = arith.minsi %min3A_122, %max3A_121 : vector<16xi32>
    %mul3A_124 = arith.constant 256 : i32
    %mul3A_125 = vector.broadcast %mul3A_124 : i32 to vector<16xi32>
    %mul3A_126 = arith.muli %min3A_123, %mul3A_125 : vector<16xi32>
    %add3A_127 = vector.broadcast %mul3A_20 : i32 to vector<16xi32>
    %add3A_128 = arith.addi %add3A_127, %mul3A_126 : vector<16xi32>
    %add3A_129 = arith.addi %add3A_128, %min3A_117 : vector<16xi32>
    %swap3A_130 = arith.constant 16 : index
    %swap3A_131 = tpu.vector_load %arg8[%swap3A_130] {strides = array<i32>} : memref<64xi32, #tpu.memory_space<vmem>>, vector<16xi32>,
    tpu.vector_store %arg8[%swap3A_130], %add3A_129 {strides = array<i32>} : memref<64xi32, #tpu.memory_space<vmem>>, vector<16xi32>,
    %add3A_132 = arith.constant 1 : i32
    %add3A_133 = vector.broadcast %add3A_132 : i32 to vector<16xi32>
    %add3A_134 = arith.addi %select_n3A_111, %add3A_133 : vector<16xi32>
    %jit3A_135 = arith.constant 0 : i32
    %jit3A_136 = arith.constant 255 : i32
    %max3A_137 = vector.broadcast %jit3A_135 : i32 to vector<16xi32>
    %max3A_138 = arith.maxsi %max3A_137, %add3A_134 : vector<16xi32>
    %min3A_139 = vector.broadcast %jit3A_136 : i32 to vector<16xi32>
    %min3A_140 = arith.minsi %min3A_139, %max3A_138 : vector<16xi32>
    %mul3A_141 = arith.constant 256 : i32
    %mul3A_142 = vector.broadcast %mul3A_141 : i32 to vector<16xi32>
    %mul3A_143 = arith.muli %min3A_140, %mul3A_142 : vector<16xi32>
    %add3A_144 = vector.broadcast %mul3A_20 : i32 to vector<16xi32>
    %add3A_145 = arith.addi %add3A_144, %mul3A_143 : vector<16xi32>
    %add3A_146 = arith.addi %add3A_145, %min3A_117 : vector<16xi32>
    %swap3A_147 = arith.constant 16 : index
    %swap3A_148 = tpu.vector_load %arg9[%swap3A_147] {strides = array<i32>} : memref<64xi32, #tpu.memory_space<vmem>>, vector<16xi32>,
    tpu.vector_store %arg9[%swap3A_147], %add3A_146 {strides = array<i32>} : memref<64xi32, #tpu.memory_space<vmem>>, vector<16xi32>,
    %get3A_149 = arith.constant 32 : index
    %get3A_150 = tpu.vector_load %arg6[%get3A_149] {strides = array<i32>} : memref<64xf32, #tpu.memory_space<vmem>>, vector<16xf32>,
    %mul3A_151 = arith.constant 2.500000e-01 : f32
    %mul3A_152 = vector.broadcast %mul3A_151 : f32 to vector<16xf32>
    %mul3A_153 = arith.mulf %get3A_150, %mul3A_152 : vector<16xf32>
    %sub3A_154 = arith.constant 5.000000e-01 : f32
    %sub3A_155 = vector.broadcast %sub3A_154 : f32 to vector<16xf32>
    %sub3A_156 = arith.subf %mul3A_153, %sub3A_155 : vector<16xf32>
    %get3A_157 = arith.constant 32 : index
    %get3A_158 = tpu.vector_load %arg7[%get3A_157] {strides = array<i32>} : memref<64xf32, #tpu.memory_space<vmem>>, vector<16xf32>,
    %mul3A_159 = arith.constant 2.500000e-01 : f32
    %mul3A_160 = vector.broadcast %mul3A_159 : f32 to vector<16xf32>
    %mul3A_161 = arith.mulf %get3A_158, %mul3A_160 : vector<16xf32>
    %sub3A_162 = arith.constant 5.000000e-01 : f32
    %sub3A_163 = vector.broadcast %sub3A_162 : f32 to vector<16xf32>
    %sub3A_164 = arith.subf %mul3A_161, %sub3A_163 : vector<16xf32>
    %convert_element_type3A_165 = arith.fptosi %sub3A_156 : vector<16xf32> to vector<16xi32>
    %convert_element_type3A_166 = arith.sitofp %convert_element_type3A_165 : vector<16xi32> to vector<16xf32>
    %gt3A_167 = arith.cmpf ogt, %convert_element_type3A_166, %sub3A_156 : vector<16xf32>
    %sub3A_168 = arith.constant 1 : i32
    %sub3A_169 = vector.broadcast %sub3A_168 : i32 to vector<16xi32>
    %sub3A_170 = arith.subi %convert_element_type3A_165, %sub3A_169 : vector<16xi32>
    %select_n3A_171 = arith.select %gt3A_167, %sub3A_170, %convert_element_type3A_165 : vector<16xi1>, vector<16xi32>
    %convert_element_type3A_172 = arith.fptosi %sub3A_164 : vector<16xf32> to vector<16xi32>
    %convert_element_type3A_173 = arith.sitofp %convert_element_type3A_172 : vector<16xi32> to vector<16xf32>
    %gt3A_174 = arith.cmpf ogt, %convert_element_type3A_173, %sub3A_164 : vector<16xf32>
    %sub3A_175 = arith.constant 1 : i32
    %sub3A_176 = vector.broadcast %sub3A_175 : i32 to vector<16xi32>
    %sub3A_177 = arith.subi %convert_element_type3A_172, %sub3A_176 : vector<16xi32>
    %select_n3A_178 = arith.select %gt3A_174, %sub3A_177, %convert_element_type3A_172 : vector<16xi1>, vector<16xi32>
    %jit3A_179 = arith.constant 0 : i32
    %jit3A_180 = arith.constant 255 : i32
    %max3A_181 = vector.broadcast %jit3A_179 : i32 to vector<16xi32>
    %max3A_182 = arith.maxsi %max3A_181, %select_n3A_171 : vector<16xi32>
    %min3A_183 = vector.broadcast %jit3A_180 : i32 to vector<16xi32>
    %min3A_184 = arith.minsi %min3A_183, %max3A_182 : vector<16xi32>
    %jit3A_185 = arith.constant 0 : i32
    %jit3A_186 = arith.constant 255 : i32
    %max3A_187 = vector.broadcast %jit3A_185 : i32 to vector<16xi32>
    %max3A_188 = arith.maxsi %max3A_187, %select_n3A_178 : vector<16xi32>
    %min3A_189 = vector.broadcast %jit3A_186 : i32 to vector<16xi32>
    %min3A_190 = arith.minsi %min3A_189, %max3A_188 : vector<16xi32>
    %mul3A_191 = arith.constant 256 : i32
    %mul3A_192 = vector.broadcast %mul3A_191 : i32 to vector<16xi32>
    %mul3A_193 = arith.muli %min3A_190, %mul3A_192 : vector<16xi32>
    %add3A_194 = vector.broadcast %mul3A_20 : i32 to vector<16xi32>
    %add3A_195 = arith.addi %add3A_194, %mul3A_193 : vector<16xi32>
    %add3A_196 = arith.addi %add3A_195, %min3A_184 : vector<16xi32>
    %swap3A_197 = arith.constant 32 : index
    %swap3A_198 = tpu.vector_load %arg8[%swap3A_197] {strides = array<i32>} : memref<64xi32, #tpu.memory_space<vmem>>, vector<16xi32>,
    tpu.vector_store %arg8[%swap3A_197], %add3A_196 {strides = array<i32>} : memref<64xi32, #tpu.memory_space<vmem>>, vector<16xi32>,
    %add3A_199 = arith.constant 1 : i32
    %add3A_200 = vector.broadcast %add3A_199 : i32 to vector<16xi32>
    %add3A_201 = arith.addi %select_n3A_178, %add3A_200 : vector<16xi32>
    %jit3A_202 = arith.constant 0 : i32
    %jit3A_203 = arith.constant 255 : i32
    %max3A_204 = vector.broadcast %jit3A_202 : i32 to vector<16xi32>
    %max3A_205 = arith.maxsi %max3A_204, %add3A_201 : vector<16xi32>
    %min3A_206 = vector.broadcast %jit3A_203 : i32 to vector<16xi32>
    %min3A_207 = arith.minsi %min3A_206, %max3A_205 : vector<16xi32>
    %mul3A_208 = arith.constant 256 : i32
    %mul3A_209 = vector.broadcast %mul3A_208 : i32 to vector<16xi32>
    %mul3A_210 = arith.muli %min3A_207, %mul3A_209 : vector<16xi32>
    %add3A_211 = vector.broadcast %mul3A_20 : i32 to vector<16xi32>
    %add3A_212 = arith.addi %add3A_211, %mul3A_210 : vector<16xi32>
    %add3A_213 = arith.addi %add3A_212, %min3A_184 : vector<16xi32>
    %swap3A_214 = arith.constant 32 : index
    %swap3A_215 = tpu.vector_load %arg9[%swap3A_214] {strides = array<i32>} : memref<64xi32, #tpu.memory_space<vmem>>, vector<16xi32>,
    tpu.vector_store %arg9[%swap3A_214], %add3A_213 {strides = array<i32>} : memref<64xi32, #tpu.memory_space<vmem>>, vector<16xi32>,
    %get3A_216 = arith.constant 48 : index
    %get3A_217 = tpu.vector_load %arg6[%get3A_216] {strides = array<i32>} : memref<64xf32, #tpu.memory_space<vmem>>, vector<16xf32>,
    %mul3A_218 = arith.constant 2.500000e-01 : f32
    %mul3A_219 = vector.broadcast %mul3A_218 : f32 to vector<16xf32>
    %mul3A_220 = arith.mulf %get3A_217, %mul3A_219 : vector<16xf32>
    %sub3A_221 = arith.constant 5.000000e-01 : f32
    %sub3A_222 = vector.broadcast %sub3A_221 : f32 to vector<16xf32>
    %sub3A_223 = arith.subf %mul3A_220, %sub3A_222 : vector<16xf32>
    %get3A_224 = arith.constant 48 : index
    %get3A_225 = tpu.vector_load %arg7[%get3A_224] {strides = array<i32>} : memref<64xf32, #tpu.memory_space<vmem>>, vector<16xf32>,
    %mul3A_226 = arith.constant 2.500000e-01 : f32
    %mul3A_227 = vector.broadcast %mul3A_226 : f32 to vector<16xf32>
    %mul3A_228 = arith.mulf %get3A_225, %mul3A_227 : vector<16xf32>
    %sub3A_229 = arith.constant 5.000000e-01 : f32
    %sub3A_230 = vector.broadcast %sub3A_229 : f32 to vector<16xf32>
    %sub3A_231 = arith.subf %mul3A_228, %sub3A_230 : vector<16xf32>
    %convert_element_type3A_232 = arith.fptosi %sub3A_223 : vector<16xf32> to vector<16xi32>
    %convert_element_type3A_233 = arith.sitofp %convert_element_type3A_232 : vector<16xi32> to vector<16xf32>
    %gt3A_234 = arith.cmpf ogt, %convert_element_type3A_233, %sub3A_223 : vector<16xf32>
    %sub3A_235 = arith.constant 1 : i32
    %sub3A_236 = vector.broadcast %sub3A_235 : i32 to vector<16xi32>
    %sub3A_237 = arith.subi %convert_element_type3A_232, %sub3A_236 : vector<16xi32>
    %select_n3A_238 = arith.select %gt3A_234, %sub3A_237, %convert_element_type3A_232 : vector<16xi1>, vector<16xi32>
    %convert_element_type3A_239 = arith.fptosi %sub3A_231 : vector<16xf32> to vector<16xi32>
    %convert_element_type3A_240 = arith.sitofp %convert_element_type3A_239 : vector<16xi32> to vector<16xf32>
    %gt3A_241 = arith.cmpf ogt, %convert_element_type3A_240, %sub3A_231 : vector<16xf32>
    %sub3A_242 = arith.constant 1 : i32
    %sub3A_243 = vector.broadcast %sub3A_242 : i32 to vector<16xi32>
    %sub3A_244 = arith.subi %convert_element_type3A_239, %sub3A_243 : vector<16xi32>
    %select_n3A_245 = arith.select %gt3A_241, %sub3A_244, %convert_element_type3A_239 : vector<16xi1>, vector<16xi32>
    %jit3A_246 = arith.constant 0 : i32
    %jit3A_247 = arith.constant 255 : i32
    %max3A_248 = vector.broadcast %jit3A_246 : i32 to vector<16xi32>
    %max3A_249 = arith.maxsi %max3A_248, %select_n3A_238 : vector<16xi32>
    %min3A_250 = vector.broadcast %jit3A_247 : i32 to vector<16xi32>
    %min3A_251 = arith.minsi %min3A_250, %max3A_249 : vector<16xi32>
    %jit3A_252 = arith.constant 0 : i32
    %jit3A_253 = arith.constant 255 : i32
    %max3A_254 = vector.broadcast %jit3A_252 : i32 to vector<16xi32>
    %max3A_255 = arith.maxsi %max3A_254, %select_n3A_245 : vector<16xi32>
    %min3A_256 = vector.broadcast %jit3A_253 : i32 to vector<16xi32>
    %min3A_257 = arith.minsi %min3A_256, %max3A_255 : vector<16xi32>
    %mul3A_258 = arith.constant 256 : i32
    %mul3A_259 = vector.broadcast %mul3A_258 : i32 to vector<16xi32>
    %mul3A_260 = arith.muli %min3A_257, %mul3A_259 : vector<16xi32>
    %add3A_261 = vector.broadcast %mul3A_20 : i32 to vector<16xi32>
    %add3A_262 = arith.addi %add3A_261, %mul3A_260 : vector<16xi32>
    %add3A_263 = arith.addi %add3A_262, %min3A_251 : vector<16xi32>
    %swap3A_264 = arith.constant 48 : index
    %swap3A_265 = tpu.vector_load %arg8[%swap3A_264] {strides = array<i32>} : memref<64xi32, #tpu.memory_space<vmem>>, vector<16xi32>,
    tpu.vector_store %arg8[%swap3A_264], %add3A_263 {strides = array<i32>} : memref<64xi32, #tpu.memory_space<vmem>>, vector<16xi32>,
    %add3A_266 = arith.constant 1 : i32
    %add3A_267 = vector.broadcast %add3A_266 : i32 to vector<16xi32>
    %add3A_268 = arith.addi %select_n3A_245, %add3A_267 : vector<16xi32>
    %jit3A_269 = arith.constant 0 : i32
    %jit3A_270 = arith.constant 255 : i32
    %max3A_271 = vector.broadcast %jit3A_269 : i32 to vector<16xi32>
    %max3A_272 = arith.maxsi %max3A_271, %add3A_268 : vector<16xi32>
    %min3A_273 = vector.broadcast %jit3A_270 : i32 to vector<16xi32>
    %min3A_274 = arith.minsi %min3A_273, %max3A_272 : vector<16xi32>
    %mul3A_275 = arith.constant 256 : i32
    %mul3A_276 = vector.broadcast %mul3A_275 : i32 to vector<16xi32>
    %mul3A_277 = arith.muli %min3A_274, %mul3A_276 : vector<16xi32>
    %add3A_278 = vector.broadcast %mul3A_20 : i32 to vector<16xi32>
    %add3A_279 = arith.addi %add3A_278, %mul3A_277 : vector<16xi32>
    %add3A_280 = arith.addi %add3A_279, %min3A_251 : vector<16xi32>
    %swap3A_281 = arith.constant 48 : index
    %swap3A_282 = tpu.vector_load %arg9[%swap3A_281] {strides = array<i32>} : memref<64xi32, #tpu.memory_space<vmem>>, vector<16xi32>,
    tpu.vector_store %arg9[%swap3A_281], %add3A_280 {strides = array<i32>} : memref<64xi32, #tpu.memory_space<vmem>>, vector<16xi32>,
    %dma_start3A = arith.constant 0 : i32
    %dma_start3A_283 = arith.constant 0 : i32
    %dma_start3A_284 = arith.constant 0 : i32
    %dma_start3A_285 = tpu.memref_slice %arg2[%dma_start3A_283, %dma_start3A_284] : memref<131072x128xi32, #tpu.memory_space<hbm>> -> memref<131072x128xi32, #tpu.memory_space<hbm>>
    %dma_start3A_286 = tpu.memref_slice %arg12[%dma_start3A] : memref<2x!tpu.dma_semaphore, #tpu.memory_space<semaphore_mem>> -> memref<1x!tpu.dma_semaphore, #tpu.memory_space<semaphore_mem>>
    %dma_start3A_287 = tpu.memref_squeeze %dma_start3A_286 : memref<1x!tpu.dma_semaphore, #tpu.memory_space<semaphore_mem>> -> memref<!tpu.dma_semaphore, #tpu.memory_space<semaphore_mem>>
    tpu.enqueue_indirect_dma source(%dma_start3A_285 : memref<131072x128xi32, #tpu.memory_space<hbm>>) target(%arg10 : memref<64x128xi32, #tpu.memory_space<vmem>>) offsets(%arg8 : memref<64xi32, #tpu.memory_space<vmem>>) semaphore(%dma_start3A_287 : memref<!tpu.dma_semaphore, #tpu.memory_space<semaphore_mem>>)
    %dma_start3A_288 = arith.constant 1 : i32
    %dma_start3A_289 = arith.constant 0 : i32
    %dma_start3A_290 = arith.constant 0 : i32
    %dma_start3A_291 = tpu.memref_slice %arg2[%dma_start3A_289, %dma_start3A_290] : memref<131072x128xi32, #tpu.memory_space<hbm>> -> memref<131072x128xi32, #tpu.memory_space<hbm>>
    %dma_start3A_292 = tpu.memref_slice %arg12[%dma_start3A_288] : memref<2x!tpu.dma_semaphore, #tpu.memory_space<semaphore_mem>> -> memref<1x!tpu.dma_semaphore, #tpu.memory_space<semaphore_mem>>
    %dma_start3A_293 = tpu.memref_squeeze %dma_start3A_292 : memref<1x!tpu.dma_semaphore, #tpu.memory_space<semaphore_mem>> -> memref<!tpu.dma_semaphore, #tpu.memory_space<semaphore_mem>>
    tpu.enqueue_indirect_dma source(%dma_start3A_291 : memref<131072x128xi32, #tpu.memory_space<hbm>>) target(%arg11 : memref<64x128xi32, #tpu.memory_space<vmem>>) offsets(%arg9 : memref<64xi32, #tpu.memory_space<vmem>>) semaphore(%dma_start3A_293 : memref<!tpu.dma_semaphore, #tpu.memory_space<semaphore_mem>>)
    %dma_wait3A = arith.constant 0 : i32
    %dma_wait3A_294 = arith.constant 0 : i32
    %dma_wait3A_295 = arith.constant 0 : i32
    %dma_wait3A_296 = tpu.memref_slice %arg2[%dma_wait3A_294, %dma_wait3A_295] : memref<131072x128xi32, #tpu.memory_space<hbm>> -> memref<131072x128xi32, #tpu.memory_space<hbm>>
    %dma_wait3A_297 = tpu.memref_slice %arg12[%dma_wait3A] : memref<2x!tpu.dma_semaphore, #tpu.memory_space<semaphore_mem>> -> memref<1x!tpu.dma_semaphore, #tpu.memory_space<semaphore_mem>>
    %dma_wait3A_298 = tpu.memref_squeeze %dma_wait3A_297 : memref<1x!tpu.dma_semaphore, #tpu.memory_space<semaphore_mem>> -> memref<!tpu.dma_semaphore, #tpu.memory_space<semaphore_mem>>
    tpu.wait_indirect_dma semaphore(%dma_wait3A_298 : memref<!tpu.dma_semaphore, #tpu.memory_space<semaphore_mem>>) src(%dma_wait3A_296 : memref<131072x128xi32, #tpu.memory_space<hbm>>) dst(%arg10 : memref<64x128xi32, #tpu.memory_space<vmem>>)
    %dma_wait3A_299 = arith.constant 1 : i32
    %dma_wait3A_300 = arith.constant 0 : i32
    %dma_wait3A_301 = arith.constant 0 : i32
    %dma_wait3A_302 = tpu.memref_slice %arg2[%dma_wait3A_300, %dma_wait3A_301] : memref<131072x128xi32, #tpu.memory_space<hbm>> -> memref<131072x128xi32, #tpu.memory_space<hbm>>
    %dma_wait3A_303 = tpu.memref_slice %arg12[%dma_wait3A_299] : memref<2x!tpu.dma_semaphore, #tpu.memory_space<semaphore_mem>> -> memref<1x!tpu.dma_semaphore, #tpu.memory_space<semaphore_mem>>
    %dma_wait3A_304 = tpu.memref_squeeze %dma_wait3A_303 : memref<1x!tpu.dma_semaphore, #tpu.memory_space<semaphore_mem>> -> memref<!tpu.dma_semaphore, #tpu.memory_space<semaphore_mem>>
    tpu.wait_indirect_dma semaphore(%dma_wait3A_304 : memref<!tpu.dma_semaphore, #tpu.memory_space<semaphore_mem>>) src(%dma_wait3A_302 : memref<131072x128xi32, #tpu.memory_space<hbm>>) dst(%arg11 : memref<64x128xi32, #tpu.memory_space<vmem>>)
    %add3A_305 = arith.constant 0 : i32
    %add3A_306 = arith.addi %add3A_305, %mul3A_2 : i32
    "tpu.region"() ({
      %run_scoped3A = tpu.sem_alloc : memref<!tpu.dma_semaphore, #tpu.memory_space<semaphore_mem>>
      %dma_start3A_309 = arith.constant 0 : i32
      %dma_start3A_310 = tpu.memref_slice %arg5[%add3A_306, %dma_start3A_309] : memref<4096x128xi32, #tpu.memory_space<hbm>> -> memref<64x128xi32, #tpu.memory_space<hbm>>
      %dma_start3A_311 = arith.constant 0 : i32
      %dma_start3A_312 = tpu.memref_slice %arg5[%add3A_306, %dma_start3A_311] : memref<4096x128xi32, #tpu.memory_space<hbm>> -> memref<64x128xi32, #tpu.memory_space<hbm>>
      tpu.enqueue_dma source(%arg10 : memref<64x128xi32, #tpu.memory_space<vmem>>) target(%dma_start3A_312 : memref<64x128xi32, #tpu.memory_space<hbm>>) target_semaphore(%run_scoped3A : memref<!tpu.dma_semaphore, #tpu.memory_space<semaphore_mem>>)
      %dma_wait3A_313 = arith.constant 0 : i32
      %dma_wait3A_314 = tpu.memref_slice %arg5[%add3A_306, %dma_wait3A_313] : memref<4096x128xi32, #tpu.memory_space<hbm>> -> memref<64x128xi32, #tpu.memory_space<hbm>>
      %dma_wait3A_315 = arith.constant 0 : i32
      %dma_wait3A_316 = tpu.memref_slice %arg5[%add3A_306, %dma_wait3A_315] : memref<4096x128xi32, #tpu.memory_space<hbm>> -> memref<64x128xi32, #tpu.memory_space<hbm>>
      tpu.wait_dma2 semaphore(%run_scoped3A : memref<!tpu.dma_semaphore, #tpu.memory_space<semaphore_mem>>) src(%arg10 : memref<64x128xi32, #tpu.memory_space<vmem>>) dst(%dma_wait3A_316 : memref<64x128xi32, #tpu.memory_space<hbm>>)
      tpu.yield
    }) : () -> ()
    %add3A_307 = arith.constant 2048 : i32
    %add3A_308 = arith.addi %add3A_307, %mul3A_2 : i32
    "tpu.region"() ({
      %run_scoped3A = tpu.sem_alloc : memref<!tpu.dma_semaphore, #tpu.memory_space<semaphore_mem>>
      %dma_start3A_309 = arith.constant 0 : i32
      %dma_start3A_310 = tpu.memref_slice %arg5[%add3A_308, %dma_start3A_309] : memref<4096x128xi32, #tpu.memory_space<hbm>> -> memref<64x128xi32, #tpu.memory_space<hbm>>
      %dma_start3A_311 = arith.constant 0 : i32
      %dma_start3A_312 = tpu.memref_slice %arg5[%add3A_308, %dma_start3A_311] : memref<4096x128xi32, #tpu.memory_space<hbm>> -> memref<64x128xi32, #tpu.memory_space<hbm>>
      tpu.enqueue_dma source(%arg11 : memref<64x128xi32, #tpu.memory_space<vmem>>) target(%dma_start3A_312 : memref<64x128xi32, #tpu.memory_space<hbm>>) target_semaphore(%run_scoped3A : memref<!tpu.dma_semaphore, #tpu.memory_space<semaphore_mem>>)
      %dma_wait3A_313 = arith.constant 0 : i32
      %dma_wait3A_314 = tpu.memref_slice %arg5[%add3A_308, %dma_wait3A_313] : memref<4096x128xi32, #tpu.memory_space<hbm>> -> memref<64x128xi32, #tpu.memory_space<hbm>>
      %dma_wait3A_315 = arith.constant 0 : i32
      %dma_wait3A_316 = tpu.memref_slice %arg5[%add3A_308, %dma_wait3A_315] : memref<4096x128xi32, #tpu.memory_space<hbm>> -> memref<64x128xi32, #tpu.memory_space<hbm>>
      tpu.wait_dma2 semaphore(%run_scoped3A : memref<!tpu.dma_semaphore, #tpu.memory_space<semaphore_mem>>) src(%arg11 : memref<64x128xi32, #tpu.memory_space<vmem>>) dst(%dma_wait3A_316 : memref<64x128xi32, #tpu.memory_space<hbm>>)
      tpu.yield
    }) : () -> ()
    return
  }
}

module attributes {stable_mosaic.version = 14 : i64} {
  func.func @_tc_pack_body(%arg0: i32, %arg1: i32, %arg2: memref<1x128x8x256xf32, #tpu.memory_space<vmem>>, %arg3: memref<2048x128xi32, #tpu.memory_space<vmem>>) attributes {dimension_semantics = [#tpu.dimension_semantics<arbitrary>, #tpu.dimension_semantics<arbitrary>], iteration_bounds = array<i64: 2, 32>, scalar_prefetch = 0 : i64, scratch_operands = 0 : i64, tpu.core_type = #tpu.core_type<tc>, window_params = [{transform_indices = @transform_0, window_bounds = array<i64: 1, 128, 8, 256>}, {transform_indices = @transform_1, window_bounds = array<i64: 2048, 128>}]} {
    %get3A = arith.constant 0 : index
    %get3A_0 = arith.constant 0 : index
    %get3A_1 = arith.constant 0 : index
    %get3A_2 = arith.constant 0 : index
    %get3A_3 = vector.load %arg2[%get3A, %get3A_0, %get3A_1, %get3A_2] : memref<1x128x8x256xf32, #tpu.memory_space<vmem>>, vector<1x128x1x256xf32>
    %get3A_4 = vector.shape_cast %get3A_3 : vector<1x128x1x256xf32> to vector<128x256xf32>
    %transpose3A = tpu.transpose %get3A_4, [1, 0] : vector<128x256xf32> -> vector<256x128xf32>
    %slice3A = vector.extract_strided_slice %transpose3A {offsets = [1, 0], sizes = [255, 128], strides = [1, 1]} : vector<256x128xf32> to vector<255x128xf32>
    %slice3A_5 = vector.extract_strided_slice %transpose3A {offsets = [0, 0], sizes = [1, 128], strides = [1, 1]} : vector<256x128xf32> to vector<1x128xf32>
    %concatenate3A = tpu.concatenate %slice3A, %slice3A_5 in 0 : vector<255x128xf32>, vector<1x128xf32> -> vector<256x128xf32>
    %convert_element_type3A = arith.truncf %transpose3A : vector<256x128xf32> to vector<256x128xbf16>
    %bitcast_convert_type3A = tpu.bitcast %convert_element_type3A : vector<256x128xbf16> -> vector<256x128xi16>
    %convert_element_type3A_6 = arith.extui %bitcast_convert_type3A : vector<256x128xi16> to vector<256x128xi32>
    %convert_element_type3A_7 = arith.truncf %concatenate3A : vector<256x128xf32> to vector<256x128xbf16>
    %bitcast_convert_type3A_8 = tpu.bitcast %convert_element_type3A_7 : vector<256x128xbf16> -> vector<256x128xi16>
    %convert_element_type3A_9 = arith.extui %bitcast_convert_type3A_8 : vector<256x128xi16> to vector<256x128xi32>
    %shift_left3A = arith.constant 16 : i32
    %shift_left3A_10 = vector.broadcast %shift_left3A : i32 to vector<256x128xi32>
    %shift_left3A_11 = arith.shli %convert_element_type3A_9, %shift_left3A_10 : vector<256x128xi32>
    %or3A = arith.ori %convert_element_type3A_6, %shift_left3A_11 : vector<256x128xi32>
    %bitcast_convert_type3A_12 = tpu.bitcast %or3A : vector<256x128xi32> -> vector<256x128xi32>
    %swap3A = arith.constant 0 : index
    %swap3A_13 = arith.constant 0 : index
    %swap3A_14 = vector.load %arg3[%swap3A, %swap3A_13] : memref<2048x128xi32, #tpu.memory_space<vmem>>, vector<256x128xi32>
    tpu.vector_store %arg3[%swap3A, %swap3A_13], %bitcast_convert_type3A_12 {strides = array<i32>} : memref<2048x128xi32, #tpu.memory_space<vmem>>, vector<256x128xi32>,
    %get3A_15 = arith.constant 0 : index
    %get3A_16 = arith.constant 0 : index
    %get3A_17 = arith.constant 1 : index
    %get3A_18 = arith.constant 0 : index
    %get3A_19 = vector.load %arg2[%get3A_15, %get3A_16, %get3A_17, %get3A_18] : memref<1x128x8x256xf32, #tpu.memory_space<vmem>>, vector<1x128x1x256xf32>
    %get3A_20 = vector.shape_cast %get3A_19 : vector<1x128x1x256xf32> to vector<128x256xf32>
    %transpose3A_21 = tpu.transpose %get3A_20, [1, 0] : vector<128x256xf32> -> vector<256x128xf32>
    %slice3A_22 = vector.extract_strided_slice %transpose3A_21 {offsets = [1, 0], sizes = [255, 128], strides = [1, 1]} : vector<256x128xf32> to vector<255x128xf32>
    %slice3A_23 = vector.extract_strided_slice %transpose3A_21 {offsets = [0, 0], sizes = [1, 128], strides = [1, 1]} : vector<256x128xf32> to vector<1x128xf32>
    %concatenate3A_24 = tpu.concatenate %slice3A_22, %slice3A_23 in 0 : vector<255x128xf32>, vector<1x128xf32> -> vector<256x128xf32>
    %convert_element_type3A_25 = arith.truncf %transpose3A_21 : vector<256x128xf32> to vector<256x128xbf16>
    %bitcast_convert_type3A_26 = tpu.bitcast %convert_element_type3A_25 : vector<256x128xbf16> -> vector<256x128xi16>
    %convert_element_type3A_27 = arith.extui %bitcast_convert_type3A_26 : vector<256x128xi16> to vector<256x128xi32>
    %convert_element_type3A_28 = arith.truncf %concatenate3A_24 : vector<256x128xf32> to vector<256x128xbf16>
    %bitcast_convert_type3A_29 = tpu.bitcast %convert_element_type3A_28 : vector<256x128xbf16> -> vector<256x128xi16>
    %convert_element_type3A_30 = arith.extui %bitcast_convert_type3A_29 : vector<256x128xi16> to vector<256x128xi32>
    %shift_left3A_31 = arith.constant 16 : i32
    %shift_left3A_32 = vector.broadcast %shift_left3A_31 : i32 to vector<256x128xi32>
    %shift_left3A_33 = arith.shli %convert_element_type3A_30, %shift_left3A_32 : vector<256x128xi32>
    %or3A_34 = arith.ori %convert_element_type3A_27, %shift_left3A_33 : vector<256x128xi32>
    %bitcast_convert_type3A_35 = tpu.bitcast %or3A_34 : vector<256x128xi32> -> vector<256x128xi32>
    %swap3A_36 = arith.constant 256 : index
    %swap3A_37 = arith.constant 0 : index
    %swap3A_38 = vector.load %arg3[%swap3A_36, %swap3A_37] : memref<2048x128xi32, #tpu.memory_space<vmem>>, vector<256x128xi32>
    tpu.vector_store %arg3[%swap3A_36, %swap3A_37], %bitcast_convert_type3A_35 {strides = array<i32>} : memref<2048x128xi32, #tpu.memory_space<vmem>>, vector<256x128xi32>,
    %get3A_39 = arith.constant 0 : index
    %get3A_40 = arith.constant 0 : index
    %get3A_41 = arith.constant 2 : index
    %get3A_42 = arith.constant 0 : index
    %get3A_43 = vector.load %arg2[%get3A_39, %get3A_40, %get3A_41, %get3A_42] : memref<1x128x8x256xf32, #tpu.memory_space<vmem>>, vector<1x128x1x256xf32>
    %get3A_44 = vector.shape_cast %get3A_43 : vector<1x128x1x256xf32> to vector<128x256xf32>
    %transpose3A_45 = tpu.transpose %get3A_44, [1, 0] : vector<128x256xf32> -> vector<256x128xf32>
    %slice3A_46 = vector.extract_strided_slice %transpose3A_45 {offsets = [1, 0], sizes = [255, 128], strides = [1, 1]} : vector<256x128xf32> to vector<255x128xf32>
    %slice3A_47 = vector.extract_strided_slice %transpose3A_45 {offsets = [0, 0], sizes = [1, 128], strides = [1, 1]} : vector<256x128xf32> to vector<1x128xf32>
    %concatenate3A_48 = tpu.concatenate %slice3A_46, %slice3A_47 in 0 : vector<255x128xf32>, vector<1x128xf32> -> vector<256x128xf32>
    %convert_element_type3A_49 = arith.truncf %transpose3A_45 : vector<256x128xf32> to vector<256x128xbf16>
    %bitcast_convert_type3A_50 = tpu.bitcast %convert_element_type3A_49 : vector<256x128xbf16> -> vector<256x128xi16>
    %convert_element_type3A_51 = arith.extui %bitcast_convert_type3A_50 : vector<256x128xi16> to vector<256x128xi32>
    %convert_element_type3A_52 = arith.truncf %concatenate3A_48 : vector<256x128xf32> to vector<256x128xbf16>
    %bitcast_convert_type3A_53 = tpu.bitcast %convert_element_type3A_52 : vector<256x128xbf16> -> vector<256x128xi16>
    %convert_element_type3A_54 = arith.extui %bitcast_convert_type3A_53 : vector<256x128xi16> to vector<256x128xi32>
    %shift_left3A_55 = arith.constant 16 : i32
    %shift_left3A_56 = vector.broadcast %shift_left3A_55 : i32 to vector<256x128xi32>
    %shift_left3A_57 = arith.shli %convert_element_type3A_54, %shift_left3A_56 : vector<256x128xi32>
    %or3A_58 = arith.ori %convert_element_type3A_51, %shift_left3A_57 : vector<256x128xi32>
    %bitcast_convert_type3A_59 = tpu.bitcast %or3A_58 : vector<256x128xi32> -> vector<256x128xi32>
    %swap3A_60 = arith.constant 512 : index
    %swap3A_61 = arith.constant 0 : index
    %swap3A_62 = vector.load %arg3[%swap3A_60, %swap3A_61] : memref<2048x128xi32, #tpu.memory_space<vmem>>, vector<256x128xi32>
    tpu.vector_store %arg3[%swap3A_60, %swap3A_61], %bitcast_convert_type3A_59 {strides = array<i32>} : memref<2048x128xi32, #tpu.memory_space<vmem>>, vector<256x128xi32>,
    %get3A_63 = arith.constant 0 : index
    %get3A_64 = arith.constant 0 : index
    %get3A_65 = arith.constant 3 : index
    %get3A_66 = arith.constant 0 : index
    %get3A_67 = vector.load %arg2[%get3A_63, %get3A_64, %get3A_65, %get3A_66] : memref<1x128x8x256xf32, #tpu.memory_space<vmem>>, vector<1x128x1x256xf32>
    %get3A_68 = vector.shape_cast %get3A_67 : vector<1x128x1x256xf32> to vector<128x256xf32>
    %transpose3A_69 = tpu.transpose %get3A_68, [1, 0] : vector<128x256xf32> -> vector<256x128xf32>
    %slice3A_70 = vector.extract_strided_slice %transpose3A_69 {offsets = [1, 0], sizes = [255, 128], strides = [1, 1]} : vector<256x128xf32> to vector<255x128xf32>
    %slice3A_71 = vector.extract_strided_slice %transpose3A_69 {offsets = [0, 0], sizes = [1, 128], strides = [1, 1]} : vector<256x128xf32> to vector<1x128xf32>
    %concatenate3A_72 = tpu.concatenate %slice3A_70, %slice3A_71 in 0 : vector<255x128xf32>, vector<1x128xf32> -> vector<256x128xf32>
    %convert_element_type3A_73 = arith.truncf %transpose3A_69 : vector<256x128xf32> to vector<256x128xbf16>
    %bitcast_convert_type3A_74 = tpu.bitcast %convert_element_type3A_73 : vector<256x128xbf16> -> vector<256x128xi16>
    %convert_element_type3A_75 = arith.extui %bitcast_convert_type3A_74 : vector<256x128xi16> to vector<256x128xi32>
    %convert_element_type3A_76 = arith.truncf %concatenate3A_72 : vector<256x128xf32> to vector<256x128xbf16>
    %bitcast_convert_type3A_77 = tpu.bitcast %convert_element_type3A_76 : vector<256x128xbf16> -> vector<256x128xi16>
    %convert_element_type3A_78 = arith.extui %bitcast_convert_type3A_77 : vector<256x128xi16> to vector<256x128xi32>
    %shift_left3A_79 = arith.constant 16 : i32
    %shift_left3A_80 = vector.broadcast %shift_left3A_79 : i32 to vector<256x128xi32>
    %shift_left3A_81 = arith.shli %convert_element_type3A_78, %shift_left3A_80 : vector<256x128xi32>
    %or3A_82 = arith.ori %convert_element_type3A_75, %shift_left3A_81 : vector<256x128xi32>
    %bitcast_convert_type3A_83 = tpu.bitcast %or3A_82 : vector<256x128xi32> -> vector<256x128xi32>
    %swap3A_84 = arith.constant 768 : index
    %swap3A_85 = arith.constant 0 : index
    %swap3A_86 = vector.load %arg3[%swap3A_84, %swap3A_85] : memref<2048x128xi32, #tpu.memory_space<vmem>>, vector<256x128xi32>
    tpu.vector_store %arg3[%swap3A_84, %swap3A_85], %bitcast_convert_type3A_83 {strides = array<i32>} : memref<2048x128xi32, #tpu.memory_space<vmem>>, vector<256x128xi32>,
    %get3A_87 = arith.constant 0 : index
    %get3A_88 = arith.constant 0 : index
    %get3A_89 = arith.constant 4 : index
    %get3A_90 = arith.constant 0 : index
    %get3A_91 = vector.load %arg2[%get3A_87, %get3A_88, %get3A_89, %get3A_90] : memref<1x128x8x256xf32, #tpu.memory_space<vmem>>, vector<1x128x1x256xf32>
    %get3A_92 = vector.shape_cast %get3A_91 : vector<1x128x1x256xf32> to vector<128x256xf32>
    %transpose3A_93 = tpu.transpose %get3A_92, [1, 0] : vector<128x256xf32> -> vector<256x128xf32>
    %slice3A_94 = vector.extract_strided_slice %transpose3A_93 {offsets = [1, 0], sizes = [255, 128], strides = [1, 1]} : vector<256x128xf32> to vector<255x128xf32>
    %slice3A_95 = vector.extract_strided_slice %transpose3A_93 {offsets = [0, 0], sizes = [1, 128], strides = [1, 1]} : vector<256x128xf32> to vector<1x128xf32>
    %concatenate3A_96 = tpu.concatenate %slice3A_94, %slice3A_95 in 0 : vector<255x128xf32>, vector<1x128xf32> -> vector<256x128xf32>
    %convert_element_type3A_97 = arith.truncf %transpose3A_93 : vector<256x128xf32> to vector<256x128xbf16>
    %bitcast_convert_type3A_98 = tpu.bitcast %convert_element_type3A_97 : vector<256x128xbf16> -> vector<256x128xi16>
    %convert_element_type3A_99 = arith.extui %bitcast_convert_type3A_98 : vector<256x128xi16> to vector<256x128xi32>
    %convert_element_type3A_100 = arith.truncf %concatenate3A_96 : vector<256x128xf32> to vector<256x128xbf16>
    %bitcast_convert_type3A_101 = tpu.bitcast %convert_element_type3A_100 : vector<256x128xbf16> -> vector<256x128xi16>
    %convert_element_type3A_102 = arith.extui %bitcast_convert_type3A_101 : vector<256x128xi16> to vector<256x128xi32>
    %shift_left3A_103 = arith.constant 16 : i32
    %shift_left3A_104 = vector.broadcast %shift_left3A_103 : i32 to vector<256x128xi32>
    %shift_left3A_105 = arith.shli %convert_element_type3A_102, %shift_left3A_104 : vector<256x128xi32>
    %or3A_106 = arith.ori %convert_element_type3A_99, %shift_left3A_105 : vector<256x128xi32>
    %bitcast_convert_type3A_107 = tpu.bitcast %or3A_106 : vector<256x128xi32> -> vector<256x128xi32>
    %swap3A_108 = arith.constant 1024 : index
    %swap3A_109 = arith.constant 0 : index
    %swap3A_110 = vector.load %arg3[%swap3A_108, %swap3A_109] : memref<2048x128xi32, #tpu.memory_space<vmem>>, vector<256x128xi32>
    tpu.vector_store %arg3[%swap3A_108, %swap3A_109], %bitcast_convert_type3A_107 {strides = array<i32>} : memref<2048x128xi32, #tpu.memory_space<vmem>>, vector<256x128xi32>,
    %get3A_111 = arith.constant 0 : index
    %get3A_112 = arith.constant 0 : index
    %get3A_113 = arith.constant 5 : index
    %get3A_114 = arith.constant 0 : index
    %get3A_115 = vector.load %arg2[%get3A_111, %get3A_112, %get3A_113, %get3A_114] : memref<1x128x8x256xf32, #tpu.memory_space<vmem>>, vector<1x128x1x256xf32>
    %get3A_116 = vector.shape_cast %get3A_115 : vector<1x128x1x256xf32> to vector<128x256xf32>
    %transpose3A_117 = tpu.transpose %get3A_116, [1, 0] : vector<128x256xf32> -> vector<256x128xf32>
    %slice3A_118 = vector.extract_strided_slice %transpose3A_117 {offsets = [1, 0], sizes = [255, 128], strides = [1, 1]} : vector<256x128xf32> to vector<255x128xf32>
    %slice3A_119 = vector.extract_strided_slice %transpose3A_117 {offsets = [0, 0], sizes = [1, 128], strides = [1, 1]} : vector<256x128xf32> to vector<1x128xf32>
    %concatenate3A_120 = tpu.concatenate %slice3A_118, %slice3A_119 in 0 : vector<255x128xf32>, vector<1x128xf32> -> vector<256x128xf32>
    %convert_element_type3A_121 = arith.truncf %transpose3A_117 : vector<256x128xf32> to vector<256x128xbf16>
    %bitcast_convert_type3A_122 = tpu.bitcast %convert_element_type3A_121 : vector<256x128xbf16> -> vector<256x128xi16>
    %convert_element_type3A_123 = arith.extui %bitcast_convert_type3A_122 : vector<256x128xi16> to vector<256x128xi32>
    %convert_element_type3A_124 = arith.truncf %concatenate3A_120 : vector<256x128xf32> to vector<256x128xbf16>
    %bitcast_convert_type3A_125 = tpu.bitcast %convert_element_type3A_124 : vector<256x128xbf16> -> vector<256x128xi16>
    %convert_element_type3A_126 = arith.extui %bitcast_convert_type3A_125 : vector<256x128xi16> to vector<256x128xi32>
    %shift_left3A_127 = arith.constant 16 : i32
    %shift_left3A_128 = vector.broadcast %shift_left3A_127 : i32 to vector<256x128xi32>
    %shift_left3A_129 = arith.shli %convert_element_type3A_126, %shift_left3A_128 : vector<256x128xi32>
    %or3A_130 = arith.ori %convert_element_type3A_123, %shift_left3A_129 : vector<256x128xi32>
    %bitcast_convert_type3A_131 = tpu.bitcast %or3A_130 : vector<256x128xi32> -> vector<256x128xi32>
    %swap3A_132 = arith.constant 1280 : index
    %swap3A_133 = arith.constant 0 : index
    %swap3A_134 = vector.load %arg3[%swap3A_132, %swap3A_133] : memref<2048x128xi32, #tpu.memory_space<vmem>>, vector<256x128xi32>
    tpu.vector_store %arg3[%swap3A_132, %swap3A_133], %bitcast_convert_type3A_131 {strides = array<i32>} : memref<2048x128xi32, #tpu.memory_space<vmem>>, vector<256x128xi32>,
    %get3A_135 = arith.constant 0 : index
    %get3A_136 = arith.constant 0 : index
    %get3A_137 = arith.constant 6 : index
    %get3A_138 = arith.constant 0 : index
    %get3A_139 = vector.load %arg2[%get3A_135, %get3A_136, %get3A_137, %get3A_138] : memref<1x128x8x256xf32, #tpu.memory_space<vmem>>, vector<1x128x1x256xf32>
    %get3A_140 = vector.shape_cast %get3A_139 : vector<1x128x1x256xf32> to vector<128x256xf32>
    %transpose3A_141 = tpu.transpose %get3A_140, [1, 0] : vector<128x256xf32> -> vector<256x128xf32>
    %slice3A_142 = vector.extract_strided_slice %transpose3A_141 {offsets = [1, 0], sizes = [255, 128], strides = [1, 1]} : vector<256x128xf32> to vector<255x128xf32>
    %slice3A_143 = vector.extract_strided_slice %transpose3A_141 {offsets = [0, 0], sizes = [1, 128], strides = [1, 1]} : vector<256x128xf32> to vector<1x128xf32>
    %concatenate3A_144 = tpu.concatenate %slice3A_142, %slice3A_143 in 0 : vector<255x128xf32>, vector<1x128xf32> -> vector<256x128xf32>
    %convert_element_type3A_145 = arith.truncf %transpose3A_141 : vector<256x128xf32> to vector<256x128xbf16>
    %bitcast_convert_type3A_146 = tpu.bitcast %convert_element_type3A_145 : vector<256x128xbf16> -> vector<256x128xi16>
    %convert_element_type3A_147 = arith.extui %bitcast_convert_type3A_146 : vector<256x128xi16> to vector<256x128xi32>
    %convert_element_type3A_148 = arith.truncf %concatenate3A_144 : vector<256x128xf32> to vector<256x128xbf16>
    %bitcast_convert_type3A_149 = tpu.bitcast %convert_element_type3A_148 : vector<256x128xbf16> -> vector<256x128xi16>
    %convert_element_type3A_150 = arith.extui %bitcast_convert_type3A_149 : vector<256x128xi16> to vector<256x128xi32>
    %shift_left3A_151 = arith.constant 16 : i32
    %shift_left3A_152 = vector.broadcast %shift_left3A_151 : i32 to vector<256x128xi32>
    %shift_left3A_153 = arith.shli %convert_element_type3A_150, %shift_left3A_152 : vector<256x128xi32>
    %or3A_154 = arith.ori %convert_element_type3A_147, %shift_left3A_153 : vector<256x128xi32>
    %bitcast_convert_type3A_155 = tpu.bitcast %or3A_154 : vector<256x128xi32> -> vector<256x128xi32>
    %swap3A_156 = arith.constant 1536 : index
    %swap3A_157 = arith.constant 0 : index
    %swap3A_158 = vector.load %arg3[%swap3A_156, %swap3A_157] : memref<2048x128xi32, #tpu.memory_space<vmem>>, vector<256x128xi32>
    tpu.vector_store %arg3[%swap3A_156, %swap3A_157], %bitcast_convert_type3A_155 {strides = array<i32>} : memref<2048x128xi32, #tpu.memory_space<vmem>>, vector<256x128xi32>,
    %get3A_159 = arith.constant 0 : index
    %get3A_160 = arith.constant 0 : index
    %get3A_161 = arith.constant 7 : index
    %get3A_162 = arith.constant 0 : index
    %get3A_163 = vector.load %arg2[%get3A_159, %get3A_160, %get3A_161, %get3A_162] : memref<1x128x8x256xf32, #tpu.memory_space<vmem>>, vector<1x128x1x256xf32>
    %get3A_164 = vector.shape_cast %get3A_163 : vector<1x128x1x256xf32> to vector<128x256xf32>
    %transpose3A_165 = tpu.transpose %get3A_164, [1, 0] : vector<128x256xf32> -> vector<256x128xf32>
    %slice3A_166 = vector.extract_strided_slice %transpose3A_165 {offsets = [1, 0], sizes = [255, 128], strides = [1, 1]} : vector<256x128xf32> to vector<255x128xf32>
    %slice3A_167 = vector.extract_strided_slice %transpose3A_165 {offsets = [0, 0], sizes = [1, 128], strides = [1, 1]} : vector<256x128xf32> to vector<1x128xf32>
    %concatenate3A_168 = tpu.concatenate %slice3A_166, %slice3A_167 in 0 : vector<255x128xf32>, vector<1x128xf32> -> vector<256x128xf32>
    %convert_element_type3A_169 = arith.truncf %transpose3A_165 : vector<256x128xf32> to vector<256x128xbf16>
    %bitcast_convert_type3A_170 = tpu.bitcast %convert_element_type3A_169 : vector<256x128xbf16> -> vector<256x128xi16>
    %convert_element_type3A_171 = arith.extui %bitcast_convert_type3A_170 : vector<256x128xi16> to vector<256x128xi32>
    %convert_element_type3A_172 = arith.truncf %concatenate3A_168 : vector<256x128xf32> to vector<256x128xbf16>
    %bitcast_convert_type3A_173 = tpu.bitcast %convert_element_type3A_172 : vector<256x128xbf16> -> vector<256x128xi16>
    %convert_element_type3A_174 = arith.extui %bitcast_convert_type3A_173 : vector<256x128xi16> to vector<256x128xi32>
    %shift_left3A_175 = arith.constant 16 : i32
    %shift_left3A_176 = vector.broadcast %shift_left3A_175 : i32 to vector<256x128xi32>
    %shift_left3A_177 = arith.shli %convert_element_type3A_174, %shift_left3A_176 : vector<256x128xi32>
    %or3A_178 = arith.ori %convert_element_type3A_171, %shift_left3A_177 : vector<256x128xi32>
    %bitcast_convert_type3A_179 = tpu.bitcast %or3A_178 : vector<256x128xi32> -> vector<256x128xi32>
    %swap3A_180 = arith.constant 1792 : index
    %swap3A_181 = arith.constant 0 : index
    %swap3A_182 = vector.load %arg3[%swap3A_180, %swap3A_181] : memref<2048x128xi32, #tpu.memory_space<vmem>>, vector<256x128xi32>
    tpu.vector_store %arg3[%swap3A_180, %swap3A_181], %bitcast_convert_type3A_179 {strides = array<i32>} : memref<2048x128xi32, #tpu.memory_space<vmem>>, vector<256x128xi32>,
    return
  }
  func.func @transform_0(%arg0: i32, %arg1: i32) -> (i32, i32, i32, i32) {
    %c0_i32 = arith.constant 0 : i32
    %c0_i32_0 = arith.constant 0 : i32
    %c0_i32_1 = arith.constant 0 : i32
    return %arg0, %c0_i32, %arg1, %c0_i32_0 : i32, i32, i32, i32
  }
  func.func @transform_1(%arg0: i32, %arg1: i32) -> (i32, i32) {
    %mul3A = arith.constant 32 : i32
    %mul3A_0 = arith.muli %arg0, %mul3A : i32
    %add3A = arith.addi %mul3A_0, %arg1 : i32
    %c0_i32 = arith.constant 0 : i32
    %c0_i32_1 = arith.constant 0 : i32
    return %add3A, %c0_i32 : i32, i32
  }
}

module attributes {stable_mosaic.version = 14 : i64} {
  func.func @_tc_snake_body(%arg0: i32, %arg1: memref<2x2048x128xi32, #tpu.memory_space<vmem>>, %arg2: memref<2048x2xf32, #tpu.memory_space<vmem>>, %arg3: memref<1170x128xbf16, #tpu.memory_space<vmem>>, %arg4: memref<7x1152x128xbf16, #tpu.memory_space<vmem>>, %arg5: memref<8x128xf32, #tpu.memory_space<vmem>>, %arg6: memref<8x128xf32, #tpu.memory_space<vmem>>, %arg7: memref<8x128xf32, #tpu.memory_space<vmem>>, %arg8: memref<1024x256xbf16, #tpu.memory_space<vmem>>, %arg9: memref<1x256xf32, #tpu.memory_space<vmem>>, %arg10: memref<1280x256xbf16, #tpu.memory_space<vmem>>, %arg11: memref<1x256xf32, #tpu.memory_space<vmem>>, %arg12: memref<256x64xbf16, #tpu.memory_space<vmem>>, %arg13: memref<1x64xf32, #tpu.memory_space<vmem>>, %arg14: memref<64x2xbf16, #tpu.memory_space<vmem>>, %arg15: memref<1x2xf32, #tpu.memory_space<vmem>>, %arg16: memref<2048x2xf32, #tpu.memory_space<vmem>>) attributes {dimension_semantics = [#tpu.dimension_semantics<arbitrary>], iteration_bounds = array<i64: 1>, scalar_prefetch = 0 : i64, scratch_operands = 0 : i64, tpu.core_type = #tpu.core_type<tc>, window_params = [{transform_indices = @transform_0, window_bounds = array<i64: 2, 2048, 128>}, {transform_indices = @transform_1, window_bounds = array<i64: 2048, 2>}, {pipeline_mode = #tpu.pipeline_mode<synchronous>, transform_indices = @transform_2, window_bounds = array<i64: 1170, 128>}, {pipeline_mode = #tpu.pipeline_mode<synchronous>, transform_indices = @transform_3, window_bounds = array<i64: 7, 1152, 128>}, {pipeline_mode = #tpu.pipeline_mode<synchronous>, transform_indices = @transform_4, window_bounds = array<i64: 8, 128>}, {pipeline_mode = #tpu.pipeline_mode<synchronous>, transform_indices = @transform_5, window_bounds = array<i64: 8, 128>}, {pipeline_mode = #tpu.pipeline_mode<synchronous>, transform_indices = @transform_6, window_bounds = array<i64: 8, 128>}, {pipeline_mode = #tpu.pipeline_mode<synchronous>, transform_indices = @transform_7, window_bounds = array<i64: 1024, 256>}, {pipeline_mode = #tpu.pipeline_mode<synchronous>, transform_indices = @transform_8, window_bounds = array<i64: 1, 256>}, {pipeline_mode = #tpu.pipeline_mode<synchronous>, transform_indices = @transform_9, window_bounds = array<i64: 1280, 256>}, {pipeline_mode = #tpu.pipeline_mode<synchronous>, transform_indices = @transform_10, window_bounds = array<i64: 1, 256>}, {pipeline_mode = #tpu.pipeline_mode<synchronous>, transform_indices = @transform_11, window_bounds = array<i64: 256, 64>}, {pipeline_mode = #tpu.pipeline_mode<synchronous>, transform_indices = @transform_12, window_bounds = array<i64: 1, 64>}, {pipeline_mode = #tpu.pipeline_mode<synchronous>, transform_indices = @transform_13, window_bounds = array<i64: 64, 2>}, {pipeline_mode = #tpu.pipeline_mode<synchronous>, transform_indices = @transform_14, window_bounds = array<i64: 1, 2>}, {transform_indices = @transform_15, window_bounds = array<i64: 2048, 2>}]} {
    %get3A = arith.constant 0 : index
    %get3A_0 = arith.constant 0 : index
    %get3A_1 = vector.load %arg2[%get3A, %get3A_0] : memref<2048x2xf32, #tpu.memory_space<vmem>>, vector<2048x2xf32>
    %reshape3A = vector.shape_cast %get3A_1 : vector<2048x2xf32> to vector<16x128x2xf32>
    %reduce_min3A = arith.constant dense<0x7F800000> : vector<16x2xf32>
    %reduce_min3A_2 = vector.multi_reduction <minimumf>, %reshape3A, %reduce_min3A [1] : vector<16x128x2xf32> to vector<16x2xf32>
    %broadcast_in_dim3A = vector.shape_cast %reduce_min3A_2 : vector<16x2xf32> to vector<16x1x2xf32>
    %sub3A = vector.broadcast %broadcast_in_dim3A : vector<16x1x2xf32> to vector<16x128x2xf32>
    %sub3A_3 = arith.subf %reshape3A, %sub3A : vector<16x128x2xf32>
    %reshape3A_4 = vector.shape_cast %sub3A_3 : vector<16x128x2xf32> to vector<2048x2xf32>
    %slice3A = vector.extract_strided_slice %get3A_1 {offsets = [0, 0], sizes = [2048, 1], strides = [1, 1]} : vector<2048x2xf32> to vector<2048x1xf32>
    %mul3A = arith.constant 2.500000e-01 : f32
    %mul3A_5 = vector.broadcast %mul3A : f32 to vector<2048x1xf32>
    %mul3A_6 = arith.mulf %slice3A, %mul3A_5 : vector<2048x1xf32>
    %sub3A_7 = arith.constant 5.000000e-01 : f32
    %sub3A_8 = vector.broadcast %sub3A_7 : f32 to vector<2048x1xf32>
    %sub3A_9 = arith.subf %mul3A_6, %sub3A_8 : vector<2048x1xf32>
    %slice3A_10 = vector.extract_strided_slice %get3A_1 {offsets = [0, 1], sizes = [2048, 1], strides = [1, 1]} : vector<2048x2xf32> to vector<2048x1xf32>
    %mul3A_11 = arith.constant 2.500000e-01 : f32
    %mul3A_12 = vector.broadcast %mul3A_11 : f32 to vector<2048x1xf32>
    %mul3A_13 = arith.mulf %slice3A_10, %mul3A_12 : vector<2048x1xf32>
    %sub3A_14 = arith.constant 5.000000e-01 : f32
    %sub3A_15 = vector.broadcast %sub3A_14 : f32 to vector<2048x1xf32>
    %sub3A_16 = arith.subf %mul3A_13, %sub3A_15 : vector<2048x1xf32>
    %floor3A = math.floor %sub3A_9 : vector<2048x1xf32>
    %floor3A_17 = math.floor %sub3A_16 : vector<2048x1xf32>
    %sub3A_18 = arith.subf %sub3A_9, %floor3A : vector<2048x1xf32>
    %sub3A_19 = arith.subf %sub3A_16, %floor3A_17 : vector<2048x1xf32>
    %ge3A = arith.constant 0.000000e+00 : f32
    %ge3A_20 = vector.broadcast %ge3A : f32 to vector<2048x1xf32>
    %ge3A_21 = arith.cmpf oge, %floor3A, %ge3A_20 : vector<2048x1xf32>
    %le3A = arith.constant 2.550000e+02 : f32
    %le3A_22 = vector.broadcast %le3A : f32 to vector<2048x1xf32>
    %le3A_23 = arith.cmpf ole, %floor3A, %le3A_22 : vector<2048x1xf32>
    %and3A = arith.andi %ge3A_21, %le3A_23 : vector<2048x1xi1>
    %convert_element_type3A = arith.extui %and3A : vector<2048x1xi1> to vector<2048x1xi32>
    %convert_element_type3A_24 = arith.sitofp %convert_element_type3A : vector<2048x1xi32> to vector<2048x1xf32>
    %sub3A_25 = arith.constant 1.000000e+00 : f32
    %sub3A_26 = vector.broadcast %sub3A_25 : f32 to vector<2048x1xf32>
    %sub3A_27 = arith.subf %sub3A_26, %sub3A_18 : vector<2048x1xf32>
    %mul3A_28 = arith.mulf %sub3A_27, %convert_element_type3A_24 : vector<2048x1xf32>
    %eq3A = arith.constant -1.000000e+00 : f32
    %eq3A_29 = vector.broadcast %eq3A : f32 to vector<2048x1xf32>
    %eq3A_30 = arith.cmpf oeq, %floor3A, %eq3A_29 : vector<2048x1xf32>
    %convert_element_type3A_31 = arith.extui %eq3A_30 : vector<2048x1xi1> to vector<2048x1xi32>
    %convert_element_type3A_32 = arith.sitofp %convert_element_type3A_31 : vector<2048x1xi32> to vector<2048x1xf32>
    %mul3A_33 = arith.mulf %sub3A_18, %convert_element_type3A_32 : vector<2048x1xf32>
    %add3A = arith.addf %mul3A_28, %mul3A_33 : vector<2048x1xf32>
    %ge3A_34 = arith.constant 0.000000e+00 : f32
    %ge3A_35 = vector.broadcast %ge3A_34 : f32 to vector<2048x1xf32>
    %ge3A_36 = arith.cmpf oge, %floor3A, %ge3A_35 : vector<2048x1xf32>
    %le3A_37 = arith.constant 2.540000e+02 : f32
    %le3A_38 = vector.broadcast %le3A_37 : f32 to vector<2048x1xf32>
    %le3A_39 = arith.cmpf ole, %floor3A, %le3A_38 : vector<2048x1xf32>
    %and3A_40 = arith.andi %ge3A_36, %le3A_39 : vector<2048x1xi1>
    %convert_element_type3A_41 = arith.extui %and3A_40 : vector<2048x1xi1> to vector<2048x1xi32>
    %convert_element_type3A_42 = arith.sitofp %convert_element_type3A_41 : vector<2048x1xi32> to vector<2048x1xf32>
    %mul3A_43 = arith.mulf %sub3A_18, %convert_element_type3A_42 : vector<2048x1xf32>
    %sub3A_44 = arith.constant 1.000000e+00 : f32
    %sub3A_45 = vector.broadcast %sub3A_44 : f32 to vector<2048x1xf32>
    %sub3A_46 = arith.subf %sub3A_45, %sub3A_19 : vector<2048x1xf32>
    %ge3A_47 = arith.constant 0.000000e+00 : f32
    %ge3A_48 = vector.broadcast %ge3A_47 : f32 to vector<2048x1xf32>
    %ge3A_49 = arith.cmpf oge, %floor3A_17, %ge3A_48 : vector<2048x1xf32>
    %le3A_50 = arith.constant 2.550000e+02 : f32
    %le3A_51 = vector.broadcast %le3A_50 : f32 to vector<2048x1xf32>
    %le3A_52 = arith.cmpf ole, %floor3A_17, %le3A_51 : vector<2048x1xf32>
    %and3A_53 = arith.andi %ge3A_49, %le3A_52 : vector<2048x1xi1>
    %convert_element_type3A_54 = arith.extui %and3A_53 : vector<2048x1xi1> to vector<2048x1xi32>
    %convert_element_type3A_55 = arith.sitofp %convert_element_type3A_54 : vector<2048x1xi32> to vector<2048x1xf32>
    %mul3A_56 = arith.mulf %sub3A_46, %convert_element_type3A_55 : vector<2048x1xf32>
    %add3A_57 = arith.constant 1.000000e+00 : f32
    %add3A_58 = vector.broadcast %add3A_57 : f32 to vector<2048x1xf32>
    %add3A_59 = arith.addf %floor3A_17, %add3A_58 : vector<2048x1xf32>
    %ge3A_60 = arith.constant 0.000000e+00 : f32
    %ge3A_61 = vector.broadcast %ge3A_60 : f32 to vector<2048x1xf32>
    %ge3A_62 = arith.cmpf oge, %add3A_59, %ge3A_61 : vector<2048x1xf32>
    %le3A_63 = arith.constant 2.550000e+02 : f32
    %le3A_64 = vector.broadcast %le3A_63 : f32 to vector<2048x1xf32>
    %le3A_65 = arith.cmpf ole, %add3A_59, %le3A_64 : vector<2048x1xf32>
    %and3A_66 = arith.andi %ge3A_62, %le3A_65 : vector<2048x1xi1>
    %convert_element_type3A_67 = arith.extui %and3A_66 : vector<2048x1xi1> to vector<2048x1xi32>
    %convert_element_type3A_68 = arith.sitofp %convert_element_type3A_67 : vector<2048x1xi32> to vector<2048x1xf32>
    %mul3A_69 = arith.mulf %sub3A_19, %convert_element_type3A_68 : vector<2048x1xf32>
    %get3A_70 = arith.constant 0 : index
    %get3A_71 = arith.constant 0 : index
    %get3A_72 = arith.constant 0 : index
    %get3A_73 = vector.load %arg1[%get3A_70, %get3A_71, %get3A_72] : memref<2x2048x128xi32, #tpu.memory_space<vmem>>, vector<1x2048x128xi32>
    %get3A_74 = vector.shape_cast %get3A_73 : vector<1x2048x128xi32> to vector<2048x128xi32>
    %and3A_75 = arith.constant 65535 : i32
    %and3A_76 = vector.broadcast %and3A_75 : i32 to vector<2048x128xi32>
    %and3A_77 = arith.andi %get3A_74, %and3A_76 : vector<2048x128xi32>
    %convert_element_type3A_78 = arith.trunci %and3A_77 : vector<2048x128xi32> to vector<2048x128xi16>
    %bitcast_convert_type3A = tpu.bitcast %convert_element_type3A_78 : vector<2048x128xi16> -> vector<2048x128xbf16>
    %shift_right_logical3A = arith.constant 16 : i32
    %shift_right_logical3A_79 = vector.broadcast %shift_right_logical3A : i32 to vector<2048x128xi32>
    %shift_right_logical3A_80 = arith.shrui %get3A_74, %shift_right_logical3A_79 : vector<2048x128xi32>
    %convert_element_type3A_81 = arith.trunci %shift_right_logical3A_80 : vector<2048x128xi32> to vector<2048x128xi16>
    %bitcast_convert_type3A_82 = tpu.bitcast %convert_element_type3A_81 : vector<2048x128xi16> -> vector<2048x128xbf16>
    %convert_element_type3A_83 = arith.extf %bitcast_convert_type3A : vector<2048x128xbf16> to vector<2048x128xf32>
    %convert_element_type3A_84 = arith.extf %bitcast_convert_type3A_82 : vector<2048x128xbf16> to vector<2048x128xf32>
    %get3A_85 = arith.constant 1 : index
    %get3A_86 = arith.constant 0 : index
    %get3A_87 = arith.constant 0 : index
    %get3A_88 = vector.load %arg1[%get3A_85, %get3A_86, %get3A_87] : memref<2x2048x128xi32, #tpu.memory_space<vmem>>, vector<1x2048x128xi32>
    %get3A_89 = vector.shape_cast %get3A_88 : vector<1x2048x128xi32> to vector<2048x128xi32>
    %and3A_90 = arith.constant 65535 : i32
    %and3A_91 = vector.broadcast %and3A_90 : i32 to vector<2048x128xi32>
    %and3A_92 = arith.andi %get3A_89, %and3A_91 : vector<2048x128xi32>
    %convert_element_type3A_93 = arith.trunci %and3A_92 : vector<2048x128xi32> to vector<2048x128xi16>
    %bitcast_convert_type3A_94 = tpu.bitcast %convert_element_type3A_93 : vector<2048x128xi16> -> vector<2048x128xbf16>
    %shift_right_logical3A_95 = arith.constant 16 : i32
    %shift_right_logical3A_96 = vector.broadcast %shift_right_logical3A_95 : i32 to vector<2048x128xi32>
    %shift_right_logical3A_97 = arith.shrui %get3A_89, %shift_right_logical3A_96 : vector<2048x128xi32>
    %convert_element_type3A_98 = arith.trunci %shift_right_logical3A_97 : vector<2048x128xi32> to vector<2048x128xi16>
    %bitcast_convert_type3A_99 = tpu.bitcast %convert_element_type3A_98 : vector<2048x128xi16> -> vector<2048x128xbf16>
    %convert_element_type3A_100 = arith.extf %bitcast_convert_type3A_94 : vector<2048x128xbf16> to vector<2048x128xf32>
    %convert_element_type3A_101 = arith.extf %bitcast_convert_type3A_99 : vector<2048x128xbf16> to vector<2048x128xf32>
    %mul3A_102 = vector.broadcast %mul3A_56 : vector<2048x1xf32> to vector<2048x128xf32>
    %mul3A_103 = arith.mulf %convert_element_type3A_83, %mul3A_102 : vector<2048x128xf32>
    %mul3A_104 = vector.broadcast %mul3A_69 : vector<2048x1xf32> to vector<2048x128xf32>
    %mul3A_105 = arith.mulf %convert_element_type3A_100, %mul3A_104 : vector<2048x128xf32>
    %add3A_106 = arith.addf %mul3A_103, %mul3A_105 : vector<2048x128xf32>
    %mul3A_107 = vector.broadcast %add3A : vector<2048x1xf32> to vector<2048x128xf32>
    %mul3A_108 = arith.mulf %add3A_106, %mul3A_107 : vector<2048x128xf32>
    %mul3A_109 = vector.broadcast %mul3A_56 : vector<2048x1xf32> to vector<2048x128xf32>
    %mul3A_110 = arith.mulf %convert_element_type3A_84, %mul3A_109 : vector<2048x128xf32>
    %mul3A_111 = vector.broadcast %mul3A_69 : vector<2048x1xf32> to vector<2048x128xf32>
    %mul3A_112 = arith.mulf %convert_element_type3A_101, %mul3A_111 : vector<2048x128xf32>
    %add3A_113 = arith.addf %mul3A_110, %mul3A_112 : vector<2048x128xf32>
    %mul3A_114 = vector.broadcast %mul3A_43 : vector<2048x1xf32> to vector<2048x128xf32>
    %mul3A_115 = arith.mulf %add3A_113, %mul3A_114 : vector<2048x128xf32>
    %add3A_116 = arith.addf %mul3A_108, %mul3A_115 : vector<2048x128xf32>
    %concatenate3A = tpu.concatenate %add3A_116, %reshape3A_4 in 1 : vector<2048x128xf32>, vector<2048x2xf32> -> vector<2048x130xf32>
    %get3A_117 = arith.constant 0 : index
    %get3A_118 = arith.constant 0 : index
    %get3A_119 = vector.load %arg3[%get3A_117, %get3A_118] : memref<1170x128xbf16, #tpu.memory_space<vmem>>, vector<1170x128xbf16>
    %reshape3A_120 = vector.shape_cast %concatenate3A : vector<2048x130xf32> to vector<16x128x130xf32>
    %slice3A_121 = vector.extract_strided_slice %reshape3A_120 {offsets = [0, 124, 0], sizes = [16, 4, 130], strides = [1, 1, 1]} : vector<16x128x130xf32> to vector<16x4x130xf32>
    %slice3A_122 = vector.extract_strided_slice %reshape3A_120 {offsets = [0, 0, 0], sizes = [16, 124, 130], strides = [1, 1, 1]} : vector<16x128x130xf32> to vector<16x124x130xf32>
    %concatenate3A_123 = tpu.concatenate %slice3A_121, %slice3A_122 in 1 : vector<16x4x130xf32>, vector<16x124x130xf32> -> vector<16x128x130xf32>
    %reshape3A_124 = vector.shape_cast %concatenate3A_123 : vector<16x128x130xf32> to vector<2048x130xf32>
    %slice3A_125 = vector.extract_strided_slice %reshape3A_120 {offsets = [0, 125, 0], sizes = [16, 3, 130], strides = [1, 1, 1]} : vector<16x128x130xf32> to vector<16x3x130xf32>
    %slice3A_126 = vector.extract_strided_slice %reshape3A_120 {offsets = [0, 0, 0], sizes = [16, 125, 130], strides = [1, 1, 1]} : vector<16x128x130xf32> to vector<16x125x130xf32>
    %concatenate3A_127 = tpu.concatenate %slice3A_125, %slice3A_126 in 1 : vector<16x3x130xf32>, vector<16x125x130xf32> -> vector<16x128x130xf32>
    %reshape3A_128 = vector.shape_cast %concatenate3A_127 : vector<16x128x130xf32> to vector<2048x130xf32>
    %slice3A_129 = vector.extract_strided_slice %reshape3A_120 {offsets = [0, 126, 0], sizes = [16, 2, 130], strides = [1, 1, 1]} : vector<16x128x130xf32> to vector<16x2x130xf32>
    %slice3A_130 = vector.extract_strided_slice %reshape3A_120 {offsets = [0, 0, 0], sizes = [16, 126, 130], strides = [1, 1, 1]} : vector<16x128x130xf32> to vector<16x126x130xf32>
    %concatenate3A_131 = tpu.concatenate %slice3A_129, %slice3A_130 in 1 : vector<16x2x130xf32>, vector<16x126x130xf32> -> vector<16x128x130xf32>
    %reshape3A_132 = vector.shape_cast %concatenate3A_131 : vector<16x128x130xf32> to vector<2048x130xf32>
    %slice3A_133 = vector.extract_strided_slice %reshape3A_120 {offsets = [0, 127, 0], sizes = [16, 1, 130], strides = [1, 1, 1]} : vector<16x128x130xf32> to vector<16x1x130xf32>
    %slice3A_134 = vector.extract_strided_slice %reshape3A_120 {offsets = [0, 0, 0], sizes = [16, 127, 130], strides = [1, 1, 1]} : vector<16x128x130xf32> to vector<16x127x130xf32>
    %concatenate3A_135 = tpu.concatenate %slice3A_133, %slice3A_134 in 1 : vector<16x1x130xf32>, vector<16x127x130xf32> -> vector<16x128x130xf32>
    %reshape3A_136 = vector.shape_cast %concatenate3A_135 : vector<16x128x130xf32> to vector<2048x130xf32>
    %slice3A_137 = vector.extract_strided_slice %reshape3A_120 {offsets = [0, 1, 0], sizes = [16, 127, 130], strides = [1, 1, 1]} : vector<16x128x130xf32> to vector<16x127x130xf32>
    %slice3A_138 = vector.extract_strided_slice %reshape3A_120 {offsets = [0, 0, 0], sizes = [16, 1, 130], strides = [1, 1, 1]} : vector<16x128x130xf32> to vector<16x1x130xf32>
    %concatenate3A_139 = tpu.concatenate %slice3A_137, %slice3A_138 in 1 : vector<16x127x130xf32>, vector<16x1x130xf32> -> vector<16x128x130xf32>
    %reshape3A_140 = vector.shape_cast %concatenate3A_139 : vector<16x128x130xf32> to vector<2048x130xf32>
    %slice3A_141 = vector.extract_strided_slice %reshape3A_120 {offsets = [0, 2, 0], sizes = [16, 126, 130], strides = [1, 1, 1]} : vector<16x128x130xf32> to vector<16x126x130xf32>
    %slice3A_142 = vector.extract_strided_slice %reshape3A_120 {offsets = [0, 0, 0], sizes = [16, 2, 130], strides = [1, 1, 1]} : vector<16x128x130xf32> to vector<16x2x130xf32>
    %concatenate3A_143 = tpu.concatenate %slice3A_141, %slice3A_142 in 1 : vector<16x126x130xf32>, vector<16x2x130xf32> -> vector<16x128x130xf32>
    %reshape3A_144 = vector.shape_cast %concatenate3A_143 : vector<16x128x130xf32> to vector<2048x130xf32>
    %slice3A_145 = vector.extract_strided_slice %reshape3A_120 {offsets = [0, 3, 0], sizes = [16, 125, 130], strides = [1, 1, 1]} : vector<16x128x130xf32> to vector<16x125x130xf32>
    %slice3A_146 = vector.extract_strided_slice %reshape3A_120 {offsets = [0, 0, 0], sizes = [16, 3, 130], strides = [1, 1, 1]} : vector<16x128x130xf32> to vector<16x3x130xf32>
    %concatenate3A_147 = tpu.concatenate %slice3A_145, %slice3A_146 in 1 : vector<16x125x130xf32>, vector<16x3x130xf32> -> vector<16x128x130xf32>
    %reshape3A_148 = vector.shape_cast %concatenate3A_147 : vector<16x128x130xf32> to vector<2048x130xf32>
    %slice3A_149 = vector.extract_strided_slice %reshape3A_120 {offsets = [0, 4, 0], sizes = [16, 124, 130], strides = [1, 1, 1]} : vector<16x128x130xf32> to vector<16x124x130xf32>
    %slice3A_150 = vector.extract_strided_slice %reshape3A_120 {offsets = [0, 0, 0], sizes = [16, 4, 130], strides = [1, 1, 1]} : vector<16x128x130xf32> to vector<16x4x130xf32>
    %concatenate3A_151 = tpu.concatenate %slice3A_149, %slice3A_150 in 1 : vector<16x124x130xf32>, vector<16x4x130xf32> -> vector<16x128x130xf32>
    %reshape3A_152 = vector.shape_cast %concatenate3A_151 : vector<16x128x130xf32> to vector<2048x130xf32>
    %concatenate3A_153 = tpu.concatenate %reshape3A_124, %reshape3A_128, %reshape3A_132, %reshape3A_136, %concatenate3A, %reshape3A_140, %reshape3A_144, %reshape3A_148, %reshape3A_152 in 1 : vector<2048x130xf32>, vector<2048x130xf32>, vector<2048x130xf32>, vector<2048x130xf32>, vector<2048x130xf32>, vector<2048x130xf32>, vector<2048x130xf32>, vector<2048x130xf32>, vector<2048x130xf32> -> vector<2048x1170xf32>
    %convert_element_type3A_154 = arith.truncf %concatenate3A_153 : vector<2048x1170xf32> to vector<2048x1170xbf16>
    %dot_general3A = arith.constant dense<0.000000e+00> : vector<2048x128xf32>
    %dot_general3A_155 = tpu.matmul %convert_element_type3A_154, %get3A_119, %dot_general3A {dimension_numbers = #tpu.dot_dimension_numbers<[1], [0], [0], [1], [0, 0, 1, 1], [], []>, transpose_lhs_hint = false} : vector<2048x1170xbf16>, vector<1170x128xbf16>, vector<2048x128xf32> -> vector<2048x128xf32>
    %get3A_156 = arith.constant 0 : index
    %get3A_157 = arith.constant 0 : index
    %get3A_158 = vector.load %arg5[%get3A_156, %get3A_157] : memref<8x128xf32, #tpu.memory_space<vmem>>, vector<1x128xf32>
    %get3A_159 = vector.shape_cast %get3A_158 : vector<1x128xf32> to vector<128xf32>
    %reshape3A_160 = vector.shape_cast %get3A_159 : vector<128xf32> to vector<1x128xf32>
    %add3A_161 = vector.broadcast %reshape3A_160 : vector<1x128xf32> to vector<2048x128xf32>
    %add3A_162 = arith.addf %dot_general3A_155, %add3A_161 : vector<2048x128xf32>
    %max3A = arith.constant 0.000000e+00 : f32
    %max3A_163 = vector.broadcast %max3A : f32 to vector<2048x128xf32>
    %max3A_164 = arith.maximumf %add3A_162, %max3A_163 : vector<2048x128xf32>
    %get3A_165 = arith.constant 0 : index
    %get3A_166 = arith.constant 0 : index
    %get3A_167 = vector.load %arg6[%get3A_165, %get3A_166] : memref<8x128xf32, #tpu.memory_space<vmem>>, vector<1x128xf32>
    %get3A_168 = vector.shape_cast %get3A_167 : vector<1x128xf32> to vector<128xf32>
    %reshape3A_169 = vector.shape_cast %get3A_168 : vector<128xf32> to vector<1x128xf32>
    %mul3A_170 = vector.broadcast %reshape3A_169 : vector<1x128xf32> to vector<2048x128xf32>
    %mul3A_171 = arith.mulf %max3A_164, %mul3A_170 : vector<2048x128xf32>
    %get3A_172 = arith.constant 0 : index
    %get3A_173 = arith.constant 0 : index
    %get3A_174 = vector.load %arg7[%get3A_172, %get3A_173] : memref<8x128xf32, #tpu.memory_space<vmem>>, vector<1x128xf32>
    %get3A_175 = vector.shape_cast %get3A_174 : vector<1x128xf32> to vector<128xf32>
    %reshape3A_176 = vector.shape_cast %get3A_175 : vector<128xf32> to vector<1x128xf32>
    %add3A_177 = vector.broadcast %reshape3A_176 : vector<1x128xf32> to vector<2048x128xf32>
    %add3A_178 = arith.addf %mul3A_171, %add3A_177 : vector<2048x128xf32>
    %get3A_179 = arith.constant 0 : index
    %get3A_180 = arith.constant 0 : index
    %get3A_181 = arith.constant 0 : index
    %get3A_182 = vector.load %arg4[%get3A_179, %get3A_180, %get3A_181] : memref<7x1152x128xbf16, #tpu.memory_space<vmem>>, vector<1x1152x128xbf16>
    %get3A_183 = vector.shape_cast %get3A_182 : vector<1x1152x128xbf16> to vector<1152x128xbf16>
    %reshape3A_184 = vector.shape_cast %add3A_178 : vector<2048x128xf32> to vector<16x128x128xf32>
    %slice3A_185 = vector.extract_strided_slice %reshape3A_184 {offsets = [0, 124, 0], sizes = [16, 4, 128], strides = [1, 1, 1]} : vector<16x128x128xf32> to vector<16x4x128xf32>
    %slice3A_186 = vector.extract_strided_slice %reshape3A_184 {offsets = [0, 0, 0], sizes = [16, 124, 128], strides = [1, 1, 1]} : vector<16x128x128xf32> to vector<16x124x128xf32>
    %concatenate3A_187 = tpu.concatenate %slice3A_185, %slice3A_186 in 1 : vector<16x4x128xf32>, vector<16x124x128xf32> -> vector<16x128x128xf32>
    %reshape3A_188 = vector.shape_cast %concatenate3A_187 : vector<16x128x128xf32> to vector<2048x128xf32>
    %slice3A_189 = vector.extract_strided_slice %reshape3A_184 {offsets = [0, 125, 0], sizes = [16, 3, 128], strides = [1, 1, 1]} : vector<16x128x128xf32> to vector<16x3x128xf32>
    %slice3A_190 = vector.extract_strided_slice %reshape3A_184 {offsets = [0, 0, 0], sizes = [16, 125, 128], strides = [1, 1, 1]} : vector<16x128x128xf32> to vector<16x125x128xf32>
    %concatenate3A_191 = tpu.concatenate %slice3A_189, %slice3A_190 in 1 : vector<16x3x128xf32>, vector<16x125x128xf32> -> vector<16x128x128xf32>
    %reshape3A_192 = vector.shape_cast %concatenate3A_191 : vector<16x128x128xf32> to vector<2048x128xf32>
    %slice3A_193 = vector.extract_strided_slice %reshape3A_184 {offsets = [0, 126, 0], sizes = [16, 2, 128], strides = [1, 1, 1]} : vector<16x128x128xf32> to vector<16x2x128xf32>
    %slice3A_194 = vector.extract_strided_slice %reshape3A_184 {offsets = [0, 0, 0], sizes = [16, 126, 128], strides = [1, 1, 1]} : vector<16x128x128xf32> to vector<16x126x128xf32>
    %concatenate3A_195 = tpu.concatenate %slice3A_193, %slice3A_194 in 1 : vector<16x2x128xf32>, vector<16x126x128xf32> -> vector<16x128x128xf32>
    %reshape3A_196 = vector.shape_cast %concatenate3A_195 : vector<16x128x128xf32> to vector<2048x128xf32>
    %slice3A_197 = vector.extract_strided_slice %reshape3A_184 {offsets = [0, 127, 0], sizes = [16, 1, 128], strides = [1, 1, 1]} : vector<16x128x128xf32> to vector<16x1x128xf32>
    %slice3A_198 = vector.extract_strided_slice %reshape3A_184 {offsets = [0, 0, 0], sizes = [16, 127, 128], strides = [1, 1, 1]} : vector<16x128x128xf32> to vector<16x127x128xf32>
    %concatenate3A_199 = tpu.concatenate %slice3A_197, %slice3A_198 in 1 : vector<16x1x128xf32>, vector<16x127x128xf32> -> vector<16x128x128xf32>
    %reshape3A_200 = vector.shape_cast %concatenate3A_199 : vector<16x128x128xf32> to vector<2048x128xf32>
    %slice3A_201 = vector.extract_strided_slice %reshape3A_184 {offsets = [0, 1, 0], sizes = [16, 127, 128], strides = [1, 1, 1]} : vector<16x128x128xf32> to vector<16x127x128xf32>
    %slice3A_202 = vector.extract_strided_slice %reshape3A_184 {offsets = [0, 0, 0], sizes = [16, 1, 128], strides = [1, 1, 1]} : vector<16x128x128xf32> to vector<16x1x128xf32>
    %concatenate3A_203 = tpu.concatenate %slice3A_201, %slice3A_202 in 1 : vector<16x127x128xf32>, vector<16x1x128xf32> -> vector<16x128x128xf32>
    %reshape3A_204 = vector.shape_cast %concatenate3A_203 : vector<16x128x128xf32> to vector<2048x128xf32>
    %slice3A_205 = vector.extract_strided_slice %reshape3A_184 {offsets = [0, 2, 0], sizes = [16, 126, 128], strides = [1, 1, 1]} : vector<16x128x128xf32> to vector<16x126x128xf32>
    %slice3A_206 = vector.extract_strided_slice %reshape3A_184 {offsets = [0, 0, 0], sizes = [16, 2, 128], strides = [1, 1, 1]} : vector<16x128x128xf32> to vector<16x2x128xf32>
    %concatenate3A_207 = tpu.concatenate %slice3A_205, %slice3A_206 in 1 : vector<16x126x128xf32>, vector<16x2x128xf32> -> vector<16x128x128xf32>
    %reshape3A_208 = vector.shape_cast %concatenate3A_207 : vector<16x128x128xf32> to vector<2048x128xf32>
    %slice3A_209 = vector.extract_strided_slice %reshape3A_184 {offsets = [0, 3, 0], sizes = [16, 125, 128], strides = [1, 1, 1]} : vector<16x128x128xf32> to vector<16x125x128xf32>
    %slice3A_210 = vector.extract_strided_slice %reshape3A_184 {offsets = [0, 0, 0], sizes = [16, 3, 128], strides = [1, 1, 1]} : vector<16x128x128xf32> to vector<16x3x128xf32>
    %concatenate3A_211 = tpu.concatenate %slice3A_209, %slice3A_210 in 1 : vector<16x125x128xf32>, vector<16x3x128xf32> -> vector<16x128x128xf32>
    %reshape3A_212 = vector.shape_cast %concatenate3A_211 : vector<16x128x128xf32> to vector<2048x128xf32>
    %slice3A_213 = vector.extract_strided_slice %reshape3A_184 {offsets = [0, 4, 0], sizes = [16, 124, 128], strides = [1, 1, 1]} : vector<16x128x128xf32> to vector<16x124x128xf32>
    %slice3A_214 = vector.extract_strided_slice %reshape3A_184 {offsets = [0, 0, 0], sizes = [16, 4, 128], strides = [1, 1, 1]} : vector<16x128x128xf32> to vector<16x4x128xf32>
    %concatenate3A_215 = tpu.concatenate %slice3A_213, %slice3A_214 in 1 : vector<16x124x128xf32>, vector<16x4x128xf32> -> vector<16x128x128xf32>
    %reshape3A_216 = vector.shape_cast %concatenate3A_215 : vector<16x128x128xf32> to vector<2048x128xf32>
    %concatenate3A_217 = tpu.concatenate %reshape3A_188, %reshape3A_192, %reshape3A_196, %reshape3A_200, %add3A_178, %reshape3A_204, %reshape3A_208, %reshape3A_212, %reshape3A_216 in 1 : vector<2048x128xf32>, vector<2048x128xf32>, vector<2048x128xf32>, vector<2048x128xf32>, vector<2048x128xf32>, vector<2048x128xf32>, vector<2048x128xf32>, vector<2048x128xf32>, vector<2048x128xf32> -> vector<2048x1152xf32>
    %convert_element_type3A_218 = arith.truncf %concatenate3A_217 : vector<2048x1152xf32> to vector<2048x1152xbf16>
    %dot_general3A_219 = arith.constant dense<0.000000e+00> : vector<2048x128xf32>
    %dot_general3A_220 = tpu.matmul %convert_element_type3A_218, %get3A_183, %dot_general3A_219 {dimension_numbers = #tpu.dot_dimension_numbers<[1], [0], [0], [1], [0, 0, 1, 1], [], []>, transpose_lhs_hint = false} : vector<2048x1152xbf16>, vector<1152x128xbf16>, vector<2048x128xf32> -> vector<2048x128xf32>
    %get3A_221 = arith.constant 1 : index
    %get3A_222 = arith.constant 0 : index
    %get3A_223 = vector.load %arg5[%get3A_221, %get3A_222] : memref<8x128xf32, #tpu.memory_space<vmem>>, vector<1x128xf32>
    %get3A_224 = vector.shape_cast %get3A_223 : vector<1x128xf32> to vector<128xf32>
    %reshape3A_225 = vector.shape_cast %get3A_224 : vector<128xf32> to vector<1x128xf32>
    %add3A_226 = vector.broadcast %reshape3A_225 : vector<1x128xf32> to vector<2048x128xf32>
    %add3A_227 = arith.addf %dot_general3A_220, %add3A_226 : vector<2048x128xf32>
    %max3A_228 = arith.constant 0.000000e+00 : f32
    %max3A_229 = vector.broadcast %max3A_228 : f32 to vector<2048x128xf32>
    %max3A_230 = arith.maximumf %add3A_227, %max3A_229 : vector<2048x128xf32>
    %get3A_231 = arith.constant 1 : index
    %get3A_232 = arith.constant 0 : index
    %get3A_233 = vector.load %arg6[%get3A_231, %get3A_232] : memref<8x128xf32, #tpu.memory_space<vmem>>, vector<1x128xf32>
    %get3A_234 = vector.shape_cast %get3A_233 : vector<1x128xf32> to vector<128xf32>
    %reshape3A_235 = vector.shape_cast %get3A_234 : vector<128xf32> to vector<1x128xf32>
    %mul3A_236 = vector.broadcast %reshape3A_235 : vector<1x128xf32> to vector<2048x128xf32>
    %mul3A_237 = arith.mulf %max3A_230, %mul3A_236 : vector<2048x128xf32>
    %get3A_238 = arith.constant 1 : index
    %get3A_239 = arith.constant 0 : index
    %get3A_240 = vector.load %arg7[%get3A_238, %get3A_239] : memref<8x128xf32, #tpu.memory_space<vmem>>, vector<1x128xf32>
    %get3A_241 = vector.shape_cast %get3A_240 : vector<1x128xf32> to vector<128xf32>
    %reshape3A_242 = vector.shape_cast %get3A_241 : vector<128xf32> to vector<1x128xf32>
    %add3A_243 = vector.broadcast %reshape3A_242 : vector<1x128xf32> to vector<2048x128xf32>
    %add3A_244 = arith.addf %mul3A_237, %add3A_243 : vector<2048x128xf32>
    %add3A_245 = arith.addf %add3A_244, %add3A_178 : vector<2048x128xf32>
    %get3A_246 = arith.constant 1 : index
    %get3A_247 = arith.constant 0 : index
    %get3A_248 = arith.constant 0 : index
    %get3A_249 = vector.load %arg4[%get3A_246, %get3A_247, %get3A_248] : memref<7x1152x128xbf16, #tpu.memory_space<vmem>>, vector<1x1152x128xbf16>
    %get3A_250 = vector.shape_cast %get3A_249 : vector<1x1152x128xbf16> to vector<1152x128xbf16>
    %reshape3A_251 = vector.shape_cast %add3A_245 : vector<2048x128xf32> to vector<16x128x128xf32>
    %slice3A_252 = vector.extract_strided_slice %reshape3A_251 {offsets = [0, 124, 0], sizes = [16, 4, 128], strides = [1, 1, 1]} : vector<16x128x128xf32> to vector<16x4x128xf32>
    %slice3A_253 = vector.extract_strided_slice %reshape3A_251 {offsets = [0, 0, 0], sizes = [16, 124, 128], strides = [1, 1, 1]} : vector<16x128x128xf32> to vector<16x124x128xf32>
    %concatenate3A_254 = tpu.concatenate %slice3A_252, %slice3A_253 in 1 : vector<16x4x128xf32>, vector<16x124x128xf32> -> vector<16x128x128xf32>
    %reshape3A_255 = vector.shape_cast %concatenate3A_254 : vector<16x128x128xf32> to vector<2048x128xf32>
    %slice3A_256 = vector.extract_strided_slice %reshape3A_251 {offsets = [0, 125, 0], sizes = [16, 3, 128], strides = [1, 1, 1]} : vector<16x128x128xf32> to vector<16x3x128xf32>
    %slice3A_257 = vector.extract_strided_slice %reshape3A_251 {offsets = [0, 0, 0], sizes = [16, 125, 128], strides = [1, 1, 1]} : vector<16x128x128xf32> to vector<16x125x128xf32>
    %concatenate3A_258 = tpu.concatenate %slice3A_256, %slice3A_257 in 1 : vector<16x3x128xf32>, vector<16x125x128xf32> -> vector<16x128x128xf32>
    %reshape3A_259 = vector.shape_cast %concatenate3A_258 : vector<16x128x128xf32> to vector<2048x128xf32>
    %slice3A_260 = vector.extract_strided_slice %reshape3A_251 {offsets = [0, 126, 0], sizes = [16, 2, 128], strides = [1, 1, 1]} : vector<16x128x128xf32> to vector<16x2x128xf32>
    %slice3A_261 = vector.extract_strided_slice %reshape3A_251 {offsets = [0, 0, 0], sizes = [16, 126, 128], strides = [1, 1, 1]} : vector<16x128x128xf32> to vector<16x126x128xf32>
    %concatenate3A_262 = tpu.concatenate %slice3A_260, %slice3A_261 in 1 : vector<16x2x128xf32>, vector<16x126x128xf32> -> vector<16x128x128xf32>
    %reshape3A_263 = vector.shape_cast %concatenate3A_262 : vector<16x128x128xf32> to vector<2048x128xf32>
    %slice3A_264 = vector.extract_strided_slice %reshape3A_251 {offsets = [0, 127, 0], sizes = [16, 1, 128], strides = [1, 1, 1]} : vector<16x128x128xf32> to vector<16x1x128xf32>
    %slice3A_265 = vector.extract_strided_slice %reshape3A_251 {offsets = [0, 0, 0], sizes = [16, 127, 128], strides = [1, 1, 1]} : vector<16x128x128xf32> to vector<16x127x128xf32>
    %concatenate3A_266 = tpu.concatenate %slice3A_264, %slice3A_265 in 1 : vector<16x1x128xf32>, vector<16x127x128xf32> -> vector<16x128x128xf32>
    %reshape3A_267 = vector.shape_cast %concatenate3A_266 : vector<16x128x128xf32> to vector<2048x128xf32>
    %slice3A_268 = vector.extract_strided_slice %reshape3A_251 {offsets = [0, 1, 0], sizes = [16, 127, 128], strides = [1, 1, 1]} : vector<16x128x128xf32> to vector<16x127x128xf32>
    %slice3A_269 = vector.extract_strided_slice %reshape3A_251 {offsets = [0, 0, 0], sizes = [16, 1, 128], strides = [1, 1, 1]} : vector<16x128x128xf32> to vector<16x1x128xf32>
    %concatenate3A_270 = tpu.concatenate %slice3A_268, %slice3A_269 in 1 : vector<16x127x128xf32>, vector<16x1x128xf32> -> vector<16x128x128xf32>
    %reshape3A_271 = vector.shape_cast %concatenate3A_270 : vector<16x128x128xf32> to vector<2048x128xf32>
    %slice3A_272 = vector.extract_strided_slice %reshape3A_251 {offsets = [0, 2, 0], sizes = [16, 126, 128], strides = [1, 1, 1]} : vector<16x128x128xf32> to vector<16x126x128xf32>
    %slice3A_273 = vector.extract_strided_slice %reshape3A_251 {offsets = [0, 0, 0], sizes = [16, 2, 128], strides = [1, 1, 1]} : vector<16x128x128xf32> to vector<16x2x128xf32>
    %concatenate3A_274 = tpu.concatenate %slice3A_272, %slice3A_273 in 1 : vector<16x126x128xf32>, vector<16x2x128xf32> -> vector<16x128x128xf32>
    %reshape3A_275 = vector.shape_cast %concatenate3A_274 : vector<16x128x128xf32> to vector<2048x128xf32>
    %slice3A_276 = vector.extract_strided_slice %reshape3A_251 {offsets = [0, 3, 0], sizes = [16, 125, 128], strides = [1, 1, 1]} : vector<16x128x128xf32> to vector<16x125x128xf32>
    %slice3A_277 = vector.extract_strided_slice %reshape3A_251 {offsets = [0, 0, 0], sizes = [16, 3, 128], strides = [1, 1, 1]} : vector<16x128x128xf32> to vector<16x3x128xf32>
    %concatenate3A_278 = tpu.concatenate %slice3A_276, %slice3A_277 in 1 : vector<16x125x128xf32>, vector<16x3x128xf32> -> vector<16x128x128xf32>
    %reshape3A_279 = vector.shape_cast %concatenate3A_278 : vector<16x128x128xf32> to vector<2048x128xf32>
    %slice3A_280 = vector.extract_strided_slice %reshape3A_251 {offsets = [0, 4, 0], sizes = [16, 124, 128], strides = [1, 1, 1]} : vector<16x128x128xf32> to vector<16x124x128xf32>
    %slice3A_281 = vector.extract_strided_slice %reshape3A_251 {offsets = [0, 0, 0], sizes = [16, 4, 128], strides = [1, 1, 1]} : vector<16x128x128xf32> to vector<16x4x128xf32>
    %concatenate3A_282 = tpu.concatenate %slice3A_280, %slice3A_281 in 1 : vector<16x124x128xf32>, vector<16x4x128xf32> -> vector<16x128x128xf32>
    %reshape3A_283 = vector.shape_cast %concatenate3A_282 : vector<16x128x128xf32> to vector<2048x128xf32>
    %concatenate3A_284 = tpu.concatenate %reshape3A_255, %reshape3A_259, %reshape3A_263, %reshape3A_267, %add3A_245, %reshape3A_271, %reshape3A_275, %reshape3A_279, %reshape3A_283 in 1 : vector<2048x128xf32>, vector<2048x128xf32>, vector<2048x128xf32>, vector<2048x128xf32>, vector<2048x128xf32>, vector<2048x128xf32>, vector<2048x128xf32>, vector<2048x128xf32>, vector<2048x128xf32> -> vector<2048x1152xf32>
    %convert_element_type3A_285 = arith.truncf %concatenate3A_284 : vector<2048x1152xf32> to vector<2048x1152xbf16>
    %dot_general3A_286 = arith.constant dense<0.000000e+00> : vector<2048x128xf32>
    %dot_general3A_287 = tpu.matmul %convert_element_type3A_285, %get3A_250, %dot_general3A_286 {dimension_numbers = #tpu.dot_dimension_numbers<[1], [0], [0], [1], [0, 0, 1, 1], [], []>, transpose_lhs_hint = false} : vector<2048x1152xbf16>, vector<1152x128xbf16>, vector<2048x128xf32> -> vector<2048x128xf32>
    %get3A_288 = arith.constant 2 : index
    %get3A_289 = arith.constant 0 : index
    %get3A_290 = vector.load %arg5[%get3A_288, %get3A_289] : memref<8x128xf32, #tpu.memory_space<vmem>>, vector<1x128xf32>
    %get3A_291 = vector.shape_cast %get3A_290 : vector<1x128xf32> to vector<128xf32>
    %reshape3A_292 = vector.shape_cast %get3A_291 : vector<128xf32> to vector<1x128xf32>
    %add3A_293 = vector.broadcast %reshape3A_292 : vector<1x128xf32> to vector<2048x128xf32>
    %add3A_294 = arith.addf %dot_general3A_287, %add3A_293 : vector<2048x128xf32>
    %max3A_295 = arith.constant 0.000000e+00 : f32
    %max3A_296 = vector.broadcast %max3A_295 : f32 to vector<2048x128xf32>
    %max3A_297 = arith.maximumf %add3A_294, %max3A_296 : vector<2048x128xf32>
    %get3A_298 = arith.constant 2 : index
    %get3A_299 = arith.constant 0 : index
    %get3A_300 = vector.load %arg6[%get3A_298, %get3A_299] : memref<8x128xf32, #tpu.memory_space<vmem>>, vector<1x128xf32>
    %get3A_301 = vector.shape_cast %get3A_300 : vector<1x128xf32> to vector<128xf32>
    %reshape3A_302 = vector.shape_cast %get3A_301 : vector<128xf32> to vector<1x128xf32>
    %mul3A_303 = vector.broadcast %reshape3A_302 : vector<1x128xf32> to vector<2048x128xf32>
    %mul3A_304 = arith.mulf %max3A_297, %mul3A_303 : vector<2048x128xf32>
    %get3A_305 = arith.constant 2 : index
    %get3A_306 = arith.constant 0 : index
    %get3A_307 = vector.load %arg7[%get3A_305, %get3A_306] : memref<8x128xf32, #tpu.memory_space<vmem>>, vector<1x128xf32>
    %get3A_308 = vector.shape_cast %get3A_307 : vector<1x128xf32> to vector<128xf32>
    %reshape3A_309 = vector.shape_cast %get3A_308 : vector<128xf32> to vector<1x128xf32>
    %add3A_310 = vector.broadcast %reshape3A_309 : vector<1x128xf32> to vector<2048x128xf32>
    %add3A_311 = arith.addf %mul3A_304, %add3A_310 : vector<2048x128xf32>
    %add3A_312 = arith.addf %add3A_311, %add3A_245 : vector<2048x128xf32>
    %get3A_313 = arith.constant 2 : index
    %get3A_314 = arith.constant 0 : index
    %get3A_315 = arith.constant 0 : index
    %get3A_316 = vector.load %arg4[%get3A_313, %get3A_314, %get3A_315] : memref<7x1152x128xbf16, #tpu.memory_space<vmem>>, vector<1x1152x128xbf16>
    %get3A_317 = vector.shape_cast %get3A_316 : vector<1x1152x128xbf16> to vector<1152x128xbf16>
    %reshape3A_318 = vector.shape_cast %add3A_312 : vector<2048x128xf32> to vector<16x128x128xf32>
    %slice3A_319 = vector.extract_strided_slice %reshape3A_318 {offsets = [0, 124, 0], sizes = [16, 4, 128], strides = [1, 1, 1]} : vector<16x128x128xf32> to vector<16x4x128xf32>
    %slice3A_320 = vector.extract_strided_slice %reshape3A_318 {offsets = [0, 0, 0], sizes = [16, 124, 128], strides = [1, 1, 1]} : vector<16x128x128xf32> to vector<16x124x128xf32>
    %concatenate3A_321 = tpu.concatenate %slice3A_319, %slice3A_320 in 1 : vector<16x4x128xf32>, vector<16x124x128xf32> -> vector<16x128x128xf32>
    %reshape3A_322 = vector.shape_cast %concatenate3A_321 : vector<16x128x128xf32> to vector<2048x128xf32>
    %slice3A_323 = vector.extract_strided_slice %reshape3A_318 {offsets = [0, 125, 0], sizes = [16, 3, 128], strides = [1, 1, 1]} : vector<16x128x128xf32> to vector<16x3x128xf32>
    %slice3A_324 = vector.extract_strided_slice %reshape3A_318 {offsets = [0, 0, 0], sizes = [16, 125, 128], strides = [1, 1, 1]} : vector<16x128x128xf32> to vector<16x125x128xf32>
    %concatenate3A_325 = tpu.concatenate %slice3A_323, %slice3A_324 in 1 : vector<16x3x128xf32>, vector<16x125x128xf32> -> vector<16x128x128xf32>
    %reshape3A_326 = vector.shape_cast %concatenate3A_325 : vector<16x128x128xf32> to vector<2048x128xf32>
    %slice3A_327 = vector.extract_strided_slice %reshape3A_318 {offsets = [0, 126, 0], sizes = [16, 2, 128], strides = [1, 1, 1]} : vector<16x128x128xf32> to vector<16x2x128xf32>
    %slice3A_328 = vector.extract_strided_slice %reshape3A_318 {offsets = [0, 0, 0], sizes = [16, 126, 128], strides = [1, 1, 1]} : vector<16x128x128xf32> to vector<16x126x128xf32>
    %concatenate3A_329 = tpu.concatenate %slice3A_327, %slice3A_328 in 1 : vector<16x2x128xf32>, vector<16x126x128xf32> -> vector<16x128x128xf32>
    %reshape3A_330 = vector.shape_cast %concatenate3A_329 : vector<16x128x128xf32> to vector<2048x128xf32>
    %slice3A_331 = vector.extract_strided_slice %reshape3A_318 {offsets = [0, 127, 0], sizes = [16, 1, 128], strides = [1, 1, 1]} : vector<16x128x128xf32> to vector<16x1x128xf32>
    %slice3A_332 = vector.extract_strided_slice %reshape3A_318 {offsets = [0, 0, 0], sizes = [16, 127, 128], strides = [1, 1, 1]} : vector<16x128x128xf32> to vector<16x127x128xf32>
    %concatenate3A_333 = tpu.concatenate %slice3A_331, %slice3A_332 in 1 : vector<16x1x128xf32>, vector<16x127x128xf32> -> vector<16x128x128xf32>
    %reshape3A_334 = vector.shape_cast %concatenate3A_333 : vector<16x128x128xf32> to vector<2048x128xf32>
    %slice3A_335 = vector.extract_strided_slice %reshape3A_318 {offsets = [0, 1, 0], sizes = [16, 127, 128], strides = [1, 1, 1]} : vector<16x128x128xf32> to vector<16x127x128xf32>
    %slice3A_336 = vector.extract_strided_slice %reshape3A_318 {offsets = [0, 0, 0], sizes = [16, 1, 128], strides = [1, 1, 1]} : vector<16x128x128xf32> to vector<16x1x128xf32>
    %concatenate3A_337 = tpu.concatenate %slice3A_335, %slice3A_336 in 1 : vector<16x127x128xf32>, vector<16x1x128xf32> -> vector<16x128x128xf32>
    %reshape3A_338 = vector.shape_cast %concatenate3A_337 : vector<16x128x128xf32> to vector<2048x128xf32>
    %slice3A_339 = vector.extract_strided_slice %reshape3A_318 {offsets = [0, 2, 0], sizes = [16, 126, 128], strides = [1, 1, 1]} : vector<16x128x128xf32> to vector<16x126x128xf32>
    %slice3A_340 = vector.extract_strided_slice %reshape3A_318 {offsets = [0, 0, 0], sizes = [16, 2, 128], strides = [1, 1, 1]} : vector<16x128x128xf32> to vector<16x2x128xf32>
    %concatenate3A_341 = tpu.concatenate %slice3A_339, %slice3A_340 in 1 : vector<16x126x128xf32>, vector<16x2x128xf32> -> vector<16x128x128xf32>
    %reshape3A_342 = vector.shape_cast %concatenate3A_341 : vector<16x128x128xf32> to vector<2048x128xf32>
    %slice3A_343 = vector.extract_strided_slice %reshape3A_318 {offsets = [0, 3, 0], sizes = [16, 125, 128], strides = [1, 1, 1]} : vector<16x128x128xf32> to vector<16x125x128xf32>
    %slice3A_344 = vector.extract_strided_slice %reshape3A_318 {offsets = [0, 0, 0], sizes = [16, 3, 128], strides = [1, 1, 1]} : vector<16x128x128xf32> to vector<16x3x128xf32>
    %concatenate3A_345 = tpu.concatenate %slice3A_343, %slice3A_344 in 1 : vector<16x125x128xf32>, vector<16x3x128xf32> -> vector<16x128x128xf32>
    %reshape3A_346 = vector.shape_cast %concatenate3A_345 : vector<16x128x128xf32> to vector<2048x128xf32>
    %slice3A_347 = vector.extract_strided_slice %reshape3A_318 {offsets = [0, 4, 0], sizes = [16, 124, 128], strides = [1, 1, 1]} : vector<16x128x128xf32> to vector<16x124x128xf32>
    %slice3A_348 = vector.extract_strided_slice %reshape3A_318 {offsets = [0, 0, 0], sizes = [16, 4, 128], strides = [1, 1, 1]} : vector<16x128x128xf32> to vector<16x4x128xf32>
    %concatenate3A_349 = tpu.concatenate %slice3A_347, %slice3A_348 in 1 : vector<16x124x128xf32>, vector<16x4x128xf32> -> vector<16x128x128xf32>
    %reshape3A_350 = vector.shape_cast %concatenate3A_349 : vector<16x128x128xf32> to vector<2048x128xf32>
    %concatenate3A_351 = tpu.concatenate %reshape3A_322, %reshape3A_326, %reshape3A_330, %reshape3A_334, %add3A_312, %reshape3A_338, %reshape3A_342, %reshape3A_346, %reshape3A_350 in 1 : vector<2048x128xf32>, vector<2048x128xf32>, vector<2048x128xf32>, vector<2048x128xf32>, vector<2048x128xf32>, vector<2048x128xf32>, vector<2048x128xf32>, vector<2048x128xf32>, vector<2048x128xf32> -> vector<2048x1152xf32>
    %convert_element_type3A_352 = arith.truncf %concatenate3A_351 : vector<2048x1152xf32> to vector<2048x1152xbf16>
    %dot_general3A_353 = arith.constant dense<0.000000e+00> : vector<2048x128xf32>
    %dot_general3A_354 = tpu.matmul %convert_element_type3A_352, %get3A_317, %dot_general3A_353 {dimension_numbers = #tpu.dot_dimension_numbers<[1], [0], [0], [1], [0, 0, 1, 1], [], []>, transpose_lhs_hint = false} : vector<2048x1152xbf16>, vector<1152x128xbf16>, vector<2048x128xf32> -> vector<2048x128xf32>
    %get3A_355 = arith.constant 3 : index
    %get3A_356 = arith.constant 0 : index
    %get3A_357 = vector.load %arg5[%get3A_355, %get3A_356] : memref<8x128xf32, #tpu.memory_space<vmem>>, vector<1x128xf32>
    %get3A_358 = vector.shape_cast %get3A_357 : vector<1x128xf32> to vector<128xf32>
    %reshape3A_359 = vector.shape_cast %get3A_358 : vector<128xf32> to vector<1x128xf32>
    %add3A_360 = vector.broadcast %reshape3A_359 : vector<1x128xf32> to vector<2048x128xf32>
    %add3A_361 = arith.addf %dot_general3A_354, %add3A_360 : vector<2048x128xf32>
    %max3A_362 = arith.constant 0.000000e+00 : f32
    %max3A_363 = vector.broadcast %max3A_362 : f32 to vector<2048x128xf32>
    %max3A_364 = arith.maximumf %add3A_361, %max3A_363 : vector<2048x128xf32>
    %get3A_365 = arith.constant 3 : index
    %get3A_366 = arith.constant 0 : index
    %get3A_367 = vector.load %arg6[%get3A_365, %get3A_366] : memref<8x128xf32, #tpu.memory_space<vmem>>, vector<1x128xf32>
    %get3A_368 = vector.shape_cast %get3A_367 : vector<1x128xf32> to vector<128xf32>
    %reshape3A_369 = vector.shape_cast %get3A_368 : vector<128xf32> to vector<1x128xf32>
    %mul3A_370 = vector.broadcast %reshape3A_369 : vector<1x128xf32> to vector<2048x128xf32>
    %mul3A_371 = arith.mulf %max3A_364, %mul3A_370 : vector<2048x128xf32>
    %get3A_372 = arith.constant 3 : index
    %get3A_373 = arith.constant 0 : index
    %get3A_374 = vector.load %arg7[%get3A_372, %get3A_373] : memref<8x128xf32, #tpu.memory_space<vmem>>, vector<1x128xf32>
    %get3A_375 = vector.shape_cast %get3A_374 : vector<1x128xf32> to vector<128xf32>
    %reshape3A_376 = vector.shape_cast %get3A_375 : vector<128xf32> to vector<1x128xf32>
    %add3A_377 = vector.broadcast %reshape3A_376 : vector<1x128xf32> to vector<2048x128xf32>
    %add3A_378 = arith.addf %mul3A_371, %add3A_377 : vector<2048x128xf32>
    %add3A_379 = arith.addf %add3A_378, %add3A_312 : vector<2048x128xf32>
    %get3A_380 = arith.constant 3 : index
    %get3A_381 = arith.constant 0 : index
    %get3A_382 = arith.constant 0 : index
    %get3A_383 = vector.load %arg4[%get3A_380, %get3A_381, %get3A_382] : memref<7x1152x128xbf16, #tpu.memory_space<vmem>>, vector<1x1152x128xbf16>
    %get3A_384 = vector.shape_cast %get3A_383 : vector<1x1152x128xbf16> to vector<1152x128xbf16>
    %reshape3A_385 = vector.shape_cast %add3A_379 : vector<2048x128xf32> to vector<16x128x128xf32>
    %slice3A_386 = vector.extract_strided_slice %reshape3A_385 {offsets = [0, 120, 0], sizes = [16, 8, 128], strides = [1, 1, 1]} : vector<16x128x128xf32> to vector<16x8x128xf32>
    %slice3A_387 = vector.extract_strided_slice %reshape3A_385 {offsets = [0, 0, 0], sizes = [16, 120, 128], strides = [1, 1, 1]} : vector<16x128x128xf32> to vector<16x120x128xf32>
    %concatenate3A_388 = tpu.concatenate %slice3A_386, %slice3A_387 in 1 : vector<16x8x128xf32>, vector<16x120x128xf32> -> vector<16x128x128xf32>
    %reshape3A_389 = vector.shape_cast %concatenate3A_388 : vector<16x128x128xf32> to vector<2048x128xf32>
    %slice3A_390 = vector.extract_strided_slice %reshape3A_385 {offsets = [0, 122, 0], sizes = [16, 6, 128], strides = [1, 1, 1]} : vector<16x128x128xf32> to vector<16x6x128xf32>
    %slice3A_391 = vector.extract_strided_slice %reshape3A_385 {offsets = [0, 0, 0], sizes = [16, 122, 128], strides = [1, 1, 1]} : vector<16x128x128xf32> to vector<16x122x128xf32>
    %concatenate3A_392 = tpu.concatenate %slice3A_390, %slice3A_391 in 1 : vector<16x6x128xf32>, vector<16x122x128xf32> -> vector<16x128x128xf32>
    %reshape3A_393 = vector.shape_cast %concatenate3A_392 : vector<16x128x128xf32> to vector<2048x128xf32>
    %slice3A_394 = vector.extract_strided_slice %reshape3A_385 {offsets = [0, 124, 0], sizes = [16, 4, 128], strides = [1, 1, 1]} : vector<16x128x128xf32> to vector<16x4x128xf32>
    %slice3A_395 = vector.extract_strided_slice %reshape3A_385 {offsets = [0, 0, 0], sizes = [16, 124, 128], strides = [1, 1, 1]} : vector<16x128x128xf32> to vector<16x124x128xf32>
    %concatenate3A_396 = tpu.concatenate %slice3A_394, %slice3A_395 in 1 : vector<16x4x128xf32>, vector<16x124x128xf32> -> vector<16x128x128xf32>
    %reshape3A_397 = vector.shape_cast %concatenate3A_396 : vector<16x128x128xf32> to vector<2048x128xf32>
    %slice3A_398 = vector.extract_strided_slice %reshape3A_385 {offsets = [0, 126, 0], sizes = [16, 2, 128], strides = [1, 1, 1]} : vector<16x128x128xf32> to vector<16x2x128xf32>
    %slice3A_399 = vector.extract_strided_slice %reshape3A_385 {offsets = [0, 0, 0], sizes = [16, 126, 128], strides = [1, 1, 1]} : vector<16x128x128xf32> to vector<16x126x128xf32>
    %concatenate3A_400 = tpu.concatenate %slice3A_398, %slice3A_399 in 1 : vector<16x2x128xf32>, vector<16x126x128xf32> -> vector<16x128x128xf32>
    %reshape3A_401 = vector.shape_cast %concatenate3A_400 : vector<16x128x128xf32> to vector<2048x128xf32>
    %slice3A_402 = vector.extract_strided_slice %reshape3A_385 {offsets = [0, 2, 0], sizes = [16, 126, 128], strides = [1, 1, 1]} : vector<16x128x128xf32> to vector<16x126x128xf32>
    %slice3A_403 = vector.extract_strided_slice %reshape3A_385 {offsets = [0, 0, 0], sizes = [16, 2, 128], strides = [1, 1, 1]} : vector<16x128x128xf32> to vector<16x2x128xf32>
    %concatenate3A_404 = tpu.concatenate %slice3A_402, %slice3A_403 in 1 : vector<16x126x128xf32>, vector<16x2x128xf32> -> vector<16x128x128xf32>
    %reshape3A_405 = vector.shape_cast %concatenate3A_404 : vector<16x128x128xf32> to vector<2048x128xf32>
    %slice3A_406 = vector.extract_strided_slice %reshape3A_385 {offsets = [0, 4, 0], sizes = [16, 124, 128], strides = [1, 1, 1]} : vector<16x128x128xf32> to vector<16x124x128xf32>
    %slice3A_407 = vector.extract_strided_slice %reshape3A_385 {offsets = [0, 0, 0], sizes = [16, 4, 128], strides = [1, 1, 1]} : vector<16x128x128xf32> to vector<16x4x128xf32>
    %concatenate3A_408 = tpu.concatenate %slice3A_406, %slice3A_407 in 1 : vector<16x124x128xf32>, vector<16x4x128xf32> -> vector<16x128x128xf32>
    %reshape3A_409 = vector.shape_cast %concatenate3A_408 : vector<16x128x128xf32> to vector<2048x128xf32>
    %slice3A_410 = vector.extract_strided_slice %reshape3A_385 {offsets = [0, 6, 0], sizes = [16, 122, 128], strides = [1, 1, 1]} : vector<16x128x128xf32> to vector<16x122x128xf32>
    %slice3A_411 = vector.extract_strided_slice %reshape3A_385 {offsets = [0, 0, 0], sizes = [16, 6, 128], strides = [1, 1, 1]} : vector<16x128x128xf32> to vector<16x6x128xf32>
    %concatenate3A_412 = tpu.concatenate %slice3A_410, %slice3A_411 in 1 : vector<16x122x128xf32>, vector<16x6x128xf32> -> vector<16x128x128xf32>
    %reshape3A_413 = vector.shape_cast %concatenate3A_412 : vector<16x128x128xf32> to vector<2048x128xf32>
    %slice3A_414 = vector.extract_strided_slice %reshape3A_385 {offsets = [0, 8, 0], sizes = [16, 120, 128], strides = [1, 1, 1]} : vector<16x128x128xf32> to vector<16x120x128xf32>
    %slice3A_415 = vector.extract_strided_slice %reshape3A_385 {offsets = [0, 0, 0], sizes = [16, 8, 128], strides = [1, 1, 1]} : vector<16x128x128xf32> to vector<16x8x128xf32>
    %concatenate3A_416 = tpu.concatenate %slice3A_414, %slice3A_415 in 1 : vector<16x120x128xf32>, vector<16x8x128xf32> -> vector<16x128x128xf32>
    %reshape3A_417 = vector.shape_cast %concatenate3A_416 : vector<16x128x128xf32> to vector<2048x128xf32>
    %concatenate3A_418 = tpu.concatenate %reshape3A_389, %reshape3A_393, %reshape3A_397, %reshape3A_401, %add3A_379, %reshape3A_405, %reshape3A_409, %reshape3A_413, %reshape3A_417 in 1 : vector<2048x128xf32>, vector<2048x128xf32>, vector<2048x128xf32>, vector<2048x128xf32>, vector<2048x128xf32>, vector<2048x128xf32>, vector<2048x128xf32>, vector<2048x128xf32>, vector<2048x128xf32> -> vector<2048x1152xf32>
    %convert_element_type3A_419 = arith.truncf %concatenate3A_418 : vector<2048x1152xf32> to vector<2048x1152xbf16>
    %dot_general3A_420 = arith.constant dense<0.000000e+00> : vector<2048x128xf32>
    %dot_general3A_421 = tpu.matmul %convert_element_type3A_419, %get3A_384, %dot_general3A_420 {dimension_numbers = #tpu.dot_dimension_numbers<[1], [0], [0], [1], [0, 0, 1, 1], [], []>, transpose_lhs_hint = false} : vector<2048x1152xbf16>, vector<1152x128xbf16>, vector<2048x128xf32> -> vector<2048x128xf32>
    %get3A_422 = arith.constant 4 : index
    %get3A_423 = arith.constant 0 : index
    %get3A_424 = vector.load %arg5[%get3A_422, %get3A_423] : memref<8x128xf32, #tpu.memory_space<vmem>>, vector<1x128xf32>
    %get3A_425 = vector.shape_cast %get3A_424 : vector<1x128xf32> to vector<128xf32>
    %reshape3A_426 = vector.shape_cast %get3A_425 : vector<128xf32> to vector<1x128xf32>
    %add3A_427 = vector.broadcast %reshape3A_426 : vector<1x128xf32> to vector<2048x128xf32>
    %add3A_428 = arith.addf %dot_general3A_421, %add3A_427 : vector<2048x128xf32>
    %max3A_429 = arith.constant 0.000000e+00 : f32
    %max3A_430 = vector.broadcast %max3A_429 : f32 to vector<2048x128xf32>
    %max3A_431 = arith.maximumf %add3A_428, %max3A_430 : vector<2048x128xf32>
    %get3A_432 = arith.constant 4 : index
    %get3A_433 = arith.constant 0 : index
    %get3A_434 = vector.load %arg6[%get3A_432, %get3A_433] : memref<8x128xf32, #tpu.memory_space<vmem>>, vector<1x128xf32>
    %get3A_435 = vector.shape_cast %get3A_434 : vector<1x128xf32> to vector<128xf32>
    %reshape3A_436 = vector.shape_cast %get3A_435 : vector<128xf32> to vector<1x128xf32>
    %mul3A_437 = vector.broadcast %reshape3A_436 : vector<1x128xf32> to vector<2048x128xf32>
    %mul3A_438 = arith.mulf %max3A_431, %mul3A_437 : vector<2048x128xf32>
    %get3A_439 = arith.constant 4 : index
    %get3A_440 = arith.constant 0 : index
    %get3A_441 = vector.load %arg7[%get3A_439, %get3A_440] : memref<8x128xf32, #tpu.memory_space<vmem>>, vector<1x128xf32>
    %get3A_442 = vector.shape_cast %get3A_441 : vector<1x128xf32> to vector<128xf32>
    %reshape3A_443 = vector.shape_cast %get3A_442 : vector<128xf32> to vector<1x128xf32>
    %add3A_444 = vector.broadcast %reshape3A_443 : vector<1x128xf32> to vector<2048x128xf32>
    %add3A_445 = arith.addf %mul3A_438, %add3A_444 : vector<2048x128xf32>
    %add3A_446 = arith.addf %add3A_445, %add3A_379 : vector<2048x128xf32>
    %get3A_447 = arith.constant 4 : index
    %get3A_448 = arith.constant 0 : index
    %get3A_449 = arith.constant 0 : index
    %get3A_450 = vector.load %arg4[%get3A_447, %get3A_448, %get3A_449] : memref<7x1152x128xbf16, #tpu.memory_space<vmem>>, vector<1x1152x128xbf16>
    %get3A_451 = vector.shape_cast %get3A_450 : vector<1x1152x128xbf16> to vector<1152x128xbf16>
    %reshape3A_452 = vector.shape_cast %add3A_446 : vector<2048x128xf32> to vector<16x128x128xf32>
    %slice3A_453 = vector.extract_strided_slice %reshape3A_452 {offsets = [0, 120, 0], sizes = [16, 8, 128], strides = [1, 1, 1]} : vector<16x128x128xf32> to vector<16x8x128xf32>
    %slice3A_454 = vector.extract_strided_slice %reshape3A_452 {offsets = [0, 0, 0], sizes = [16, 120, 128], strides = [1, 1, 1]} : vector<16x128x128xf32> to vector<16x120x128xf32>
    %concatenate3A_455 = tpu.concatenate %slice3A_453, %slice3A_454 in 1 : vector<16x8x128xf32>, vector<16x120x128xf32> -> vector<16x128x128xf32>
    %reshape3A_456 = vector.shape_cast %concatenate3A_455 : vector<16x128x128xf32> to vector<2048x128xf32>
    %slice3A_457 = vector.extract_strided_slice %reshape3A_452 {offsets = [0, 122, 0], sizes = [16, 6, 128], strides = [1, 1, 1]} : vector<16x128x128xf32> to vector<16x6x128xf32>
    %slice3A_458 = vector.extract_strided_slice %reshape3A_452 {offsets = [0, 0, 0], sizes = [16, 122, 128], strides = [1, 1, 1]} : vector<16x128x128xf32> to vector<16x122x128xf32>
    %concatenate3A_459 = tpu.concatenate %slice3A_457, %slice3A_458 in 1 : vector<16x6x128xf32>, vector<16x122x128xf32> -> vector<16x128x128xf32>
    %reshape3A_460 = vector.shape_cast %concatenate3A_459 : vector<16x128x128xf32> to vector<2048x128xf32>
    %slice3A_461 = vector.extract_strided_slice %reshape3A_452 {offsets = [0, 124, 0], sizes = [16, 4, 128], strides = [1, 1, 1]} : vector<16x128x128xf32> to vector<16x4x128xf32>
    %slice3A_462 = vector.extract_strided_slice %reshape3A_452 {offsets = [0, 0, 0], sizes = [16, 124, 128], strides = [1, 1, 1]} : vector<16x128x128xf32> to vector<16x124x128xf32>
    %concatenate3A_463 = tpu.concatenate %slice3A_461, %slice3A_462 in 1 : vector<16x4x128xf32>, vector<16x124x128xf32> -> vector<16x128x128xf32>
    %reshape3A_464 = vector.shape_cast %concatenate3A_463 : vector<16x128x128xf32> to vector<2048x128xf32>
    %slice3A_465 = vector.extract_strided_slice %reshape3A_452 {offsets = [0, 126, 0], sizes = [16, 2, 128], strides = [1, 1, 1]} : vector<16x128x128xf32> to vector<16x2x128xf32>
    %slice3A_466 = vector.extract_strided_slice %reshape3A_452 {offsets = [0, 0, 0], sizes = [16, 126, 128], strides = [1, 1, 1]} : vector<16x128x128xf32> to vector<16x126x128xf32>
    %concatenate3A_467 = tpu.concatenate %slice3A_465, %slice3A_466 in 1 : vector<16x2x128xf32>, vector<16x126x128xf32> -> vector<16x128x128xf32>
    %reshape3A_468 = vector.shape_cast %concatenate3A_467 : vector<16x128x128xf32> to vector<2048x128xf32>
    %slice3A_469 = vector.extract_strided_slice %reshape3A_452 {offsets = [0, 2, 0], sizes = [16, 126, 128], strides = [1, 1, 1]} : vector<16x128x128xf32> to vector<16x126x128xf32>
    %slice3A_470 = vector.extract_strided_slice %reshape3A_452 {offsets = [0, 0, 0], sizes = [16, 2, 128], strides = [1, 1, 1]} : vector<16x128x128xf32> to vector<16x2x128xf32>
    %concatenate3A_471 = tpu.concatenate %slice3A_469, %slice3A_470 in 1 : vector<16x126x128xf32>, vector<16x2x128xf32> -> vector<16x128x128xf32>
    %reshape3A_472 = vector.shape_cast %concatenate3A_471 : vector<16x128x128xf32> to vector<2048x128xf32>
    %slice3A_473 = vector.extract_strided_slice %reshape3A_452 {offsets = [0, 4, 0], sizes = [16, 124, 128], strides = [1, 1, 1]} : vector<16x128x128xf32> to vector<16x124x128xf32>
    %slice3A_474 = vector.extract_strided_slice %reshape3A_452 {offsets = [0, 0, 0], sizes = [16, 4, 128], strides = [1, 1, 1]} : vector<16x128x128xf32> to vector<16x4x128xf32>
    %concatenate3A_475 = tpu.concatenate %slice3A_473, %slice3A_474 in 1 : vector<16x124x128xf32>, vector<16x4x128xf32> -> vector<16x128x128xf32>
    %reshape3A_476 = vector.shape_cast %concatenate3A_475 : vector<16x128x128xf32> to vector<2048x128xf32>
    %slice3A_477 = vector.extract_strided_slice %reshape3A_452 {offsets = [0, 6, 0], sizes = [16, 122, 128], strides = [1, 1, 1]} : vector<16x128x128xf32> to vector<16x122x128xf32>
    %slice3A_478 = vector.extract_strided_slice %reshape3A_452 {offsets = [0, 0, 0], sizes = [16, 6, 128], strides = [1, 1, 1]} : vector<16x128x128xf32> to vector<16x6x128xf32>
    %concatenate3A_479 = tpu.concatenate %slice3A_477, %slice3A_478 in 1 : vector<16x122x128xf32>, vector<16x6x128xf32> -> vector<16x128x128xf32>
    %reshape3A_480 = vector.shape_cast %concatenate3A_479 : vector<16x128x128xf32> to vector<2048x128xf32>
    %slice3A_481 = vector.extract_strided_slice %reshape3A_452 {offsets = [0, 8, 0], sizes = [16, 120, 128], strides = [1, 1, 1]} : vector<16x128x128xf32> to vector<16x120x128xf32>
    %slice3A_482 = vector.extract_strided_slice %reshape3A_452 {offsets = [0, 0, 0], sizes = [16, 8, 128], strides = [1, 1, 1]} : vector<16x128x128xf32> to vector<16x8x128xf32>
    %concatenate3A_483 = tpu.concatenate %slice3A_481, %slice3A_482 in 1 : vector<16x120x128xf32>, vector<16x8x128xf32> -> vector<16x128x128xf32>
    %reshape3A_484 = vector.shape_cast %concatenate3A_483 : vector<16x128x128xf32> to vector<2048x128xf32>
    %concatenate3A_485 = tpu.concatenate %reshape3A_456, %reshape3A_460, %reshape3A_464, %reshape3A_468, %add3A_446, %reshape3A_472, %reshape3A_476, %reshape3A_480, %reshape3A_484 in 1 : vector<2048x128xf32>, vector<2048x128xf32>, vector<2048x128xf32>, vector<2048x128xf32>, vector<2048x128xf32>, vector<2048x128xf32>, vector<2048x128xf32>, vector<2048x128xf32>, vector<2048x128xf32> -> vector<2048x1152xf32>
    %convert_element_type3A_486 = arith.truncf %concatenate3A_485 : vector<2048x1152xf32> to vector<2048x1152xbf16>
    %dot_general3A_487 = arith.constant dense<0.000000e+00> : vector<2048x128xf32>
    %dot_general3A_488 = tpu.matmul %convert_element_type3A_486, %get3A_451, %dot_general3A_487 {dimension_numbers = #tpu.dot_dimension_numbers<[1], [0], [0], [1], [0, 0, 1, 1], [], []>, transpose_lhs_hint = false} : vector<2048x1152xbf16>, vector<1152x128xbf16>, vector<2048x128xf32> -> vector<2048x128xf32>
    %get3A_489 = arith.constant 5 : index
    %get3A_490 = arith.constant 0 : index
    %get3A_491 = vector.load %arg5[%get3A_489, %get3A_490] : memref<8x128xf32, #tpu.memory_space<vmem>>, vector<1x128xf32>
    %get3A_492 = vector.shape_cast %get3A_491 : vector<1x128xf32> to vector<128xf32>
    %reshape3A_493 = vector.shape_cast %get3A_492 : vector<128xf32> to vector<1x128xf32>
    %add3A_494 = vector.broadcast %reshape3A_493 : vector<1x128xf32> to vector<2048x128xf32>
    %add3A_495 = arith.addf %dot_general3A_488, %add3A_494 : vector<2048x128xf32>
    %max3A_496 = arith.constant 0.000000e+00 : f32
    %max3A_497 = vector.broadcast %max3A_496 : f32 to vector<2048x128xf32>
    %max3A_498 = arith.maximumf %add3A_495, %max3A_497 : vector<2048x128xf32>
    %get3A_499 = arith.constant 5 : index
    %get3A_500 = arith.constant 0 : index
    %get3A_501 = vector.load %arg6[%get3A_499, %get3A_500] : memref<8x128xf32, #tpu.memory_space<vmem>>, vector<1x128xf32>
    %get3A_502 = vector.shape_cast %get3A_501 : vector<1x128xf32> to vector<128xf32>
    %reshape3A_503 = vector.shape_cast %get3A_502 : vector<128xf32> to vector<1x128xf32>
    %mul3A_504 = vector.broadcast %reshape3A_503 : vector<1x128xf32> to vector<2048x128xf32>
    %mul3A_505 = arith.mulf %max3A_498, %mul3A_504 : vector<2048x128xf32>
    %get3A_506 = arith.constant 5 : index
    %get3A_507 = arith.constant 0 : index
    %get3A_508 = vector.load %arg7[%get3A_506, %get3A_507] : memref<8x128xf32, #tpu.memory_space<vmem>>, vector<1x128xf32>
    %get3A_509 = vector.shape_cast %get3A_508 : vector<1x128xf32> to vector<128xf32>
    %reshape3A_510 = vector.shape_cast %get3A_509 : vector<128xf32> to vector<1x128xf32>
    %add3A_511 = vector.broadcast %reshape3A_510 : vector<1x128xf32> to vector<2048x128xf32>
    %add3A_512 = arith.addf %mul3A_505, %add3A_511 : vector<2048x128xf32>
    %add3A_513 = arith.addf %add3A_512, %add3A_446 : vector<2048x128xf32>
    %get3A_514 = arith.constant 5 : index
    %get3A_515 = arith.constant 0 : index
    %get3A_516 = arith.constant 0 : index
    %get3A_517 = vector.load %arg4[%get3A_514, %get3A_515, %get3A_516] : memref<7x1152x128xbf16, #tpu.memory_space<vmem>>, vector<1x1152x128xbf16>
    %get3A_518 = vector.shape_cast %get3A_517 : vector<1x1152x128xbf16> to vector<1152x128xbf16>
    %reshape3A_519 = vector.shape_cast %add3A_513 : vector<2048x128xf32> to vector<16x128x128xf32>
    %slice3A_520 = vector.extract_strided_slice %reshape3A_519 {offsets = [0, 112, 0], sizes = [16, 16, 128], strides = [1, 1, 1]} : vector<16x128x128xf32> to vector<16x16x128xf32>
    %slice3A_521 = vector.extract_strided_slice %reshape3A_519 {offsets = [0, 0, 0], sizes = [16, 112, 128], strides = [1, 1, 1]} : vector<16x128x128xf32> to vector<16x112x128xf32>
    %concatenate3A_522 = tpu.concatenate %slice3A_520, %slice3A_521 in 1 : vector<16x16x128xf32>, vector<16x112x128xf32> -> vector<16x128x128xf32>
    %reshape3A_523 = vector.shape_cast %concatenate3A_522 : vector<16x128x128xf32> to vector<2048x128xf32>
    %slice3A_524 = vector.extract_strided_slice %reshape3A_519 {offsets = [0, 116, 0], sizes = [16, 12, 128], strides = [1, 1, 1]} : vector<16x128x128xf32> to vector<16x12x128xf32>
    %slice3A_525 = vector.extract_strided_slice %reshape3A_519 {offsets = [0, 0, 0], sizes = [16, 116, 128], strides = [1, 1, 1]} : vector<16x128x128xf32> to vector<16x116x128xf32>
    %concatenate3A_526 = tpu.concatenate %slice3A_524, %slice3A_525 in 1 : vector<16x12x128xf32>, vector<16x116x128xf32> -> vector<16x128x128xf32>
    %reshape3A_527 = vector.shape_cast %concatenate3A_526 : vector<16x128x128xf32> to vector<2048x128xf32>
    %slice3A_528 = vector.extract_strided_slice %reshape3A_519 {offsets = [0, 120, 0], sizes = [16, 8, 128], strides = [1, 1, 1]} : vector<16x128x128xf32> to vector<16x8x128xf32>
    %slice3A_529 = vector.extract_strided_slice %reshape3A_519 {offsets = [0, 0, 0], sizes = [16, 120, 128], strides = [1, 1, 1]} : vector<16x128x128xf32> to vector<16x120x128xf32>
    %concatenate3A_530 = tpu.concatenate %slice3A_528, %slice3A_529 in 1 : vector<16x8x128xf32>, vector<16x120x128xf32> -> vector<16x128x128xf32>
    %reshape3A_531 = vector.shape_cast %concatenate3A_530 : vector<16x128x128xf32> to vector<2048x128xf32>
    %slice3A_532 = vector.extract_strided_slice %reshape3A_519 {offsets = [0, 124, 0], sizes = [16, 4, 128], strides = [1, 1, 1]} : vector<16x128x128xf32> to vector<16x4x128xf32>
    %slice3A_533 = vector.extract_strided_slice %reshape3A_519 {offsets = [0, 0, 0], sizes = [16, 124, 128], strides = [1, 1, 1]} : vector<16x128x128xf32> to vector<16x124x128xf32>
    %concatenate3A_534 = tpu.concatenate %slice3A_532, %slice3A_533 in 1 : vector<16x4x128xf32>, vector<16x124x128xf32> -> vector<16x128x128xf32>
    %reshape3A_535 = vector.shape_cast %concatenate3A_534 : vector<16x128x128xf32> to vector<2048x128xf32>
    %slice3A_536 = vector.extract_strided_slice %reshape3A_519 {offsets = [0, 4, 0], sizes = [16, 124, 128], strides = [1, 1, 1]} : vector<16x128x128xf32> to vector<16x124x128xf32>
    %slice3A_537 = vector.extract_strided_slice %reshape3A_519 {offsets = [0, 0, 0], sizes = [16, 4, 128], strides = [1, 1, 1]} : vector<16x128x128xf32> to vector<16x4x128xf32>
    %concatenate3A_538 = tpu.concatenate %slice3A_536, %slice3A_537 in 1 : vector<16x124x128xf32>, vector<16x4x128xf32> -> vector<16x128x128xf32>
    %reshape3A_539 = vector.shape_cast %concatenate3A_538 : vector<16x128x128xf32> to vector<2048x128xf32>
    %slice3A_540 = vector.extract_strided_slice %reshape3A_519 {offsets = [0, 8, 0], sizes = [16, 120, 128], strides = [1, 1, 1]} : vector<16x128x128xf32> to vector<16x120x128xf32>
    %slice3A_541 = vector.extract_strided_slice %reshape3A_519 {offsets = [0, 0, 0], sizes = [16, 8, 128], strides = [1, 1, 1]} : vector<16x128x128xf32> to vector<16x8x128xf32>
    %concatenate3A_542 = tpu.concatenate %slice3A_540, %slice3A_541 in 1 : vector<16x120x128xf32>, vector<16x8x128xf32> -> vector<16x128x128xf32>
    %reshape3A_543 = vector.shape_cast %concatenate3A_542 : vector<16x128x128xf32> to vector<2048x128xf32>
    %slice3A_544 = vector.extract_strided_slice %reshape3A_519 {offsets = [0, 12, 0], sizes = [16, 116, 128], strides = [1, 1, 1]} : vector<16x128x128xf32> to vector<16x116x128xf32>
    %slice3A_545 = vector.extract_strided_slice %reshape3A_519 {offsets = [0, 0, 0], sizes = [16, 12, 128], strides = [1, 1, 1]} : vector<16x128x128xf32> to vector<16x12x128xf32>
    %concatenate3A_546 = tpu.concatenate %slice3A_544, %slice3A_545 in 1 : vector<16x116x128xf32>, vector<16x12x128xf32> -> vector<16x128x128xf32>
    %reshape3A_547 = vector.shape_cast %concatenate3A_546 : vector<16x128x128xf32> to vector<2048x128xf32>
    %slice3A_548 = vector.extract_strided_slice %reshape3A_519 {offsets = [0, 16, 0], sizes = [16, 112, 128], strides = [1, 1, 1]} : vector<16x128x128xf32> to vector<16x112x128xf32>
    %slice3A_549 = vector.extract_strided_slice %reshape3A_519 {offsets = [0, 0, 0], sizes = [16, 16, 128], strides = [1, 1, 1]} : vector<16x128x128xf32> to vector<16x16x128xf32>
    %concatenate3A_550 = tpu.concatenate %slice3A_548, %slice3A_549 in 1 : vector<16x112x128xf32>, vector<16x16x128xf32> -> vector<16x128x128xf32>
    %reshape3A_551 = vector.shape_cast %concatenate3A_550 : vector<16x128x128xf32> to vector<2048x128xf32>
    %concatenate3A_552 = tpu.concatenate %reshape3A_523, %reshape3A_527, %reshape3A_531, %reshape3A_535, %add3A_513, %reshape3A_539, %reshape3A_543, %reshape3A_547, %reshape3A_551 in 1 : vector<2048x128xf32>, vector<2048x128xf32>, vector<2048x128xf32>, vector<2048x128xf32>, vector<2048x128xf32>, vector<2048x128xf32>, vector<2048x128xf32>, vector<2048x128xf32>, vector<2048x128xf32> -> vector<2048x1152xf32>
    %convert_element_type3A_553 = arith.truncf %concatenate3A_552 : vector<2048x1152xf32> to vector<2048x1152xbf16>
    %dot_general3A_554 = arith.constant dense<0.000000e+00> : vector<2048x128xf32>
    %dot_general3A_555 = tpu.matmul %convert_element_type3A_553, %get3A_518, %dot_general3A_554 {dimension_numbers = #tpu.dot_dimension_numbers<[1], [0], [0], [1], [0, 0, 1, 1], [], []>, transpose_lhs_hint = false} : vector<2048x1152xbf16>, vector<1152x128xbf16>, vector<2048x128xf32> -> vector<2048x128xf32>
    %get3A_556 = arith.constant 6 : index
    %get3A_557 = arith.constant 0 : index
    %get3A_558 = vector.load %arg5[%get3A_556, %get3A_557] : memref<8x128xf32, #tpu.memory_space<vmem>>, vector<1x128xf32>
    %get3A_559 = vector.shape_cast %get3A_558 : vector<1x128xf32> to vector<128xf32>
    %reshape3A_560 = vector.shape_cast %get3A_559 : vector<128xf32> to vector<1x128xf32>
    %add3A_561 = vector.broadcast %reshape3A_560 : vector<1x128xf32> to vector<2048x128xf32>
    %add3A_562 = arith.addf %dot_general3A_555, %add3A_561 : vector<2048x128xf32>
    %max3A_563 = arith.constant 0.000000e+00 : f32
    %max3A_564 = vector.broadcast %max3A_563 : f32 to vector<2048x128xf32>
    %max3A_565 = arith.maximumf %add3A_562, %max3A_564 : vector<2048x128xf32>
    %get3A_566 = arith.constant 6 : index
    %get3A_567 = arith.constant 0 : index
    %get3A_568 = vector.load %arg6[%get3A_566, %get3A_567] : memref<8x128xf32, #tpu.memory_space<vmem>>, vector<1x128xf32>
    %get3A_569 = vector.shape_cast %get3A_568 : vector<1x128xf32> to vector<128xf32>
    %reshape3A_570 = vector.shape_cast %get3A_569 : vector<128xf32> to vector<1x128xf32>
    %mul3A_571 = vector.broadcast %reshape3A_570 : vector<1x128xf32> to vector<2048x128xf32>
    %mul3A_572 = arith.mulf %max3A_565, %mul3A_571 : vector<2048x128xf32>
    %get3A_573 = arith.constant 6 : index
    %get3A_574 = arith.constant 0 : index
    %get3A_575 = vector.load %arg7[%get3A_573, %get3A_574] : memref<8x128xf32, #tpu.memory_space<vmem>>, vector<1x128xf32>
    %get3A_576 = vector.shape_cast %get3A_575 : vector<1x128xf32> to vector<128xf32>
    %reshape3A_577 = vector.shape_cast %get3A_576 : vector<128xf32> to vector<1x128xf32>
    %add3A_578 = vector.broadcast %reshape3A_577 : vector<1x128xf32> to vector<2048x128xf32>
    %add3A_579 = arith.addf %mul3A_572, %add3A_578 : vector<2048x128xf32>
    %add3A_580 = arith.addf %add3A_579, %add3A_513 : vector<2048x128xf32>
    %get3A_581 = arith.constant 6 : index
    %get3A_582 = arith.constant 0 : index
    %get3A_583 = arith.constant 0 : index
    %get3A_584 = vector.load %arg4[%get3A_581, %get3A_582, %get3A_583] : memref<7x1152x128xbf16, #tpu.memory_space<vmem>>, vector<1x1152x128xbf16>
    %get3A_585 = vector.shape_cast %get3A_584 : vector<1x1152x128xbf16> to vector<1152x128xbf16>
    %reshape3A_586 = vector.shape_cast %add3A_580 : vector<2048x128xf32> to vector<16x128x128xf32>
    %slice3A_587 = vector.extract_strided_slice %reshape3A_586 {offsets = [0, 112, 0], sizes = [16, 16, 128], strides = [1, 1, 1]} : vector<16x128x128xf32> to vector<16x16x128xf32>
    %slice3A_588 = vector.extract_strided_slice %reshape3A_586 {offsets = [0, 0, 0], sizes = [16, 112, 128], strides = [1, 1, 1]} : vector<16x128x128xf32> to vector<16x112x128xf32>
    %concatenate3A_589 = tpu.concatenate %slice3A_587, %slice3A_588 in 1 : vector<16x16x128xf32>, vector<16x112x128xf32> -> vector<16x128x128xf32>
    %reshape3A_590 = vector.shape_cast %concatenate3A_589 : vector<16x128x128xf32> to vector<2048x128xf32>
    %slice3A_591 = vector.extract_strided_slice %reshape3A_586 {offsets = [0, 116, 0], sizes = [16, 12, 128], strides = [1, 1, 1]} : vector<16x128x128xf32> to vector<16x12x128xf32>
    %slice3A_592 = vector.extract_strided_slice %reshape3A_586 {offsets = [0, 0, 0], sizes = [16, 116, 128], strides = [1, 1, 1]} : vector<16x128x128xf32> to vector<16x116x128xf32>
    %concatenate3A_593 = tpu.concatenate %slice3A_591, %slice3A_592 in 1 : vector<16x12x128xf32>, vector<16x116x128xf32> -> vector<16x128x128xf32>
    %reshape3A_594 = vector.shape_cast %concatenate3A_593 : vector<16x128x128xf32> to vector<2048x128xf32>
    %slice3A_595 = vector.extract_strided_slice %reshape3A_586 {offsets = [0, 120, 0], sizes = [16, 8, 128], strides = [1, 1, 1]} : vector<16x128x128xf32> to vector<16x8x128xf32>
    %slice3A_596 = vector.extract_strided_slice %reshape3A_586 {offsets = [0, 0, 0], sizes = [16, 120, 128], strides = [1, 1, 1]} : vector<16x128x128xf32> to vector<16x120x128xf32>
    %concatenate3A_597 = tpu.concatenate %slice3A_595, %slice3A_596 in 1 : vector<16x8x128xf32>, vector<16x120x128xf32> -> vector<16x128x128xf32>
    %reshape3A_598 = vector.shape_cast %concatenate3A_597 : vector<16x128x128xf32> to vector<2048x128xf32>
    %slice3A_599 = vector.extract_strided_slice %reshape3A_586 {offsets = [0, 124, 0], sizes = [16, 4, 128], strides = [1, 1, 1]} : vector<16x128x128xf32> to vector<16x4x128xf32>
    %slice3A_600 = vector.extract_strided_slice %reshape3A_586 {offsets = [0, 0, 0], sizes = [16, 124, 128], strides = [1, 1, 1]} : vector<16x128x128xf32> to vector<16x124x128xf32>
    %concatenate3A_601 = tpu.concatenate %slice3A_599, %slice3A_600 in 1 : vector<16x4x128xf32>, vector<16x124x128xf32> -> vector<16x128x128xf32>
    %reshape3A_602 = vector.shape_cast %concatenate3A_601 : vector<16x128x128xf32> to vector<2048x128xf32>
    %slice3A_603 = vector.extract_strided_slice %reshape3A_586 {offsets = [0, 4, 0], sizes = [16, 124, 128], strides = [1, 1, 1]} : vector<16x128x128xf32> to vector<16x124x128xf32>
    %slice3A_604 = vector.extract_strided_slice %reshape3A_586 {offsets = [0, 0, 0], sizes = [16, 4, 128], strides = [1, 1, 1]} : vector<16x128x128xf32> to vector<16x4x128xf32>
    %concatenate3A_605 = tpu.concatenate %slice3A_603, %slice3A_604 in 1 : vector<16x124x128xf32>, vector<16x4x128xf32> -> vector<16x128x128xf32>
    %reshape3A_606 = vector.shape_cast %concatenate3A_605 : vector<16x128x128xf32> to vector<2048x128xf32>
    %slice3A_607 = vector.extract_strided_slice %reshape3A_586 {offsets = [0, 8, 0], sizes = [16, 120, 128], strides = [1, 1, 1]} : vector<16x128x128xf32> to vector<16x120x128xf32>
    %slice3A_608 = vector.extract_strided_slice %reshape3A_586 {offsets = [0, 0, 0], sizes = [16, 8, 128], strides = [1, 1, 1]} : vector<16x128x128xf32> to vector<16x8x128xf32>
    %concatenate3A_609 = tpu.concatenate %slice3A_607, %slice3A_608 in 1 : vector<16x120x128xf32>, vector<16x8x128xf32> -> vector<16x128x128xf32>
    %reshape3A_610 = vector.shape_cast %concatenate3A_609 : vector<16x128x128xf32> to vector<2048x128xf32>
    %slice3A_611 = vector.extract_strided_slice %reshape3A_586 {offsets = [0, 12, 0], sizes = [16, 116, 128], strides = [1, 1, 1]} : vector<16x128x128xf32> to vector<16x116x128xf32>
    %slice3A_612 = vector.extract_strided_slice %reshape3A_586 {offsets = [0, 0, 0], sizes = [16, 12, 128], strides = [1, 1, 1]} : vector<16x128x128xf32> to vector<16x12x128xf32>
    %concatenate3A_613 = tpu.concatenate %slice3A_611, %slice3A_612 in 1 : vector<16x116x128xf32>, vector<16x12x128xf32> -> vector<16x128x128xf32>
    %reshape3A_614 = vector.shape_cast %concatenate3A_613 : vector<16x128x128xf32> to vector<2048x128xf32>
    %slice3A_615 = vector.extract_strided_slice %reshape3A_586 {offsets = [0, 16, 0], sizes = [16, 112, 128], strides = [1, 1, 1]} : vector<16x128x128xf32> to vector<16x112x128xf32>
    %slice3A_616 = vector.extract_strided_slice %reshape3A_586 {offsets = [0, 0, 0], sizes = [16, 16, 128], strides = [1, 1, 1]} : vector<16x128x128xf32> to vector<16x16x128xf32>
    %concatenate3A_617 = tpu.concatenate %slice3A_615, %slice3A_616 in 1 : vector<16x112x128xf32>, vector<16x16x128xf32> -> vector<16x128x128xf32>
    %reshape3A_618 = vector.shape_cast %concatenate3A_617 : vector<16x128x128xf32> to vector<2048x128xf32>
    %concatenate3A_619 = tpu.concatenate %reshape3A_590, %reshape3A_594, %reshape3A_598, %reshape3A_602, %add3A_580, %reshape3A_606, %reshape3A_610, %reshape3A_614, %reshape3A_618 in 1 : vector<2048x128xf32>, vector<2048x128xf32>, vector<2048x128xf32>, vector<2048x128xf32>, vector<2048x128xf32>, vector<2048x128xf32>, vector<2048x128xf32>, vector<2048x128xf32>, vector<2048x128xf32> -> vector<2048x1152xf32>
    %convert_element_type3A_620 = arith.truncf %concatenate3A_619 : vector<2048x1152xf32> to vector<2048x1152xbf16>
    %dot_general3A_621 = arith.constant dense<0.000000e+00> : vector<2048x128xf32>
    %dot_general3A_622 = tpu.matmul %convert_element_type3A_620, %get3A_585, %dot_general3A_621 {dimension_numbers = #tpu.dot_dimension_numbers<[1], [0], [0], [1], [0, 0, 1, 1], [], []>, transpose_lhs_hint = false} : vector<2048x1152xbf16>, vector<1152x128xbf16>, vector<2048x128xf32> -> vector<2048x128xf32>
    %get3A_623 = arith.constant 7 : index
    %get3A_624 = arith.constant 0 : index
    %get3A_625 = vector.load %arg5[%get3A_623, %get3A_624] : memref<8x128xf32, #tpu.memory_space<vmem>>, vector<1x128xf32>
    %get3A_626 = vector.shape_cast %get3A_625 : vector<1x128xf32> to vector<128xf32>
    %reshape3A_627 = vector.shape_cast %get3A_626 : vector<128xf32> to vector<1x128xf32>
    %add3A_628 = vector.broadcast %reshape3A_627 : vector<1x128xf32> to vector<2048x128xf32>
    %add3A_629 = arith.addf %dot_general3A_622, %add3A_628 : vector<2048x128xf32>
    %max3A_630 = arith.constant 0.000000e+00 : f32
    %max3A_631 = vector.broadcast %max3A_630 : f32 to vector<2048x128xf32>
    %max3A_632 = arith.maximumf %add3A_629, %max3A_631 : vector<2048x128xf32>
    %get3A_633 = arith.constant 7 : index
    %get3A_634 = arith.constant 0 : index
    %get3A_635 = vector.load %arg6[%get3A_633, %get3A_634] : memref<8x128xf32, #tpu.memory_space<vmem>>, vector<1x128xf32>
    %get3A_636 = vector.shape_cast %get3A_635 : vector<1x128xf32> to vector<128xf32>
    %reshape3A_637 = vector.shape_cast %get3A_636 : vector<128xf32> to vector<1x128xf32>
    %mul3A_638 = vector.broadcast %reshape3A_637 : vector<1x128xf32> to vector<2048x128xf32>
    %mul3A_639 = arith.mulf %max3A_632, %mul3A_638 : vector<2048x128xf32>
    %get3A_640 = arith.constant 7 : index
    %get3A_641 = arith.constant 0 : index
    %get3A_642 = vector.load %arg7[%get3A_640, %get3A_641] : memref<8x128xf32, #tpu.memory_space<vmem>>, vector<1x128xf32>
    %get3A_643 = vector.shape_cast %get3A_642 : vector<1x128xf32> to vector<128xf32>
    %reshape3A_644 = vector.shape_cast %get3A_643 : vector<128xf32> to vector<1x128xf32>
    %add3A_645 = vector.broadcast %reshape3A_644 : vector<1x128xf32> to vector<2048x128xf32>
    %add3A_646 = arith.addf %mul3A_639, %add3A_645 : vector<2048x128xf32>
    %add3A_647 = arith.addf %add3A_646, %add3A_580 : vector<2048x128xf32>
    %concatenate3A_648 = tpu.concatenate %add3A_178, %add3A_245, %add3A_312, %add3A_379, %add3A_446, %add3A_513, %add3A_580, %add3A_647 in 1 : vector<2048x128xf32>, vector<2048x128xf32>, vector<2048x128xf32>, vector<2048x128xf32>, vector<2048x128xf32>, vector<2048x128xf32>, vector<2048x128xf32>, vector<2048x128xf32> -> vector<2048x1024xf32>
    %convert_element_type3A_649 = arith.truncf %concatenate3A_648 : vector<2048x1024xf32> to vector<2048x1024xbf16>
    %get3A_650 = arith.constant 0 : index
    %get3A_651 = arith.constant 0 : index
    %get3A_652 = vector.load %arg8[%get3A_650, %get3A_651] : memref<1024x256xbf16, #tpu.memory_space<vmem>>, vector<1024x256xbf16>
    %dot_general3A_653 = arith.constant dense<0.000000e+00> : vector<2048x256xf32>
    %dot_general3A_654 = tpu.matmul %convert_element_type3A_649, %get3A_652, %dot_general3A_653 {dimension_numbers = #tpu.dot_dimension_numbers<[1], [0], [0], [1], [0, 0, 1, 1], [], []>, transpose_lhs_hint = false} : vector<2048x1024xbf16>, vector<1024x256xbf16>, vector<2048x256xf32> -> vector<2048x256xf32>
    %get3A_655 = arith.constant 0 : index
    %get3A_656 = arith.constant 0 : index
    %get3A_657 = vector.load %arg9[%get3A_655, %get3A_656] : memref<1x256xf32, #tpu.memory_space<vmem>>, vector<1x256xf32>
    %add3A_658 = vector.broadcast %get3A_657 : vector<1x256xf32> to vector<2048x256xf32>
    %add3A_659 = arith.addf %dot_general3A_654, %add3A_658 : vector<2048x256xf32>
    %reshape3A_660 = vector.shape_cast %add3A_659 : vector<2048x256xf32> to vector<16x128x256xf32>
    %reduce_max3A = arith.constant dense<0xFF800000> : vector<16x256xf32>
    %reduce_max3A_661 = vector.multi_reduction <maximumf>, %reshape3A_660, %reduce_max3A [1] : vector<16x128x256xf32> to vector<16x256xf32>
    %broadcast_in_dim3A_662 = vector.shape_cast %reduce_max3A_661 : vector<16x256xf32> to vector<16x1x256xf32>
    %broadcast_in_dim3A_663 = vector.shape_cast %broadcast_in_dim3A_662 : vector<16x1x256xf32> to vector<16x1x256xf32>
    %broadcast_in_dim3A_664 = vector.broadcast %broadcast_in_dim3A_663 : vector<16x1x256xf32> to vector<16x128x256xf32>
    %reshape3A_665 = vector.shape_cast %broadcast_in_dim3A_664 : vector<16x128x256xf32> to vector<2048x256xf32>
    %convert_element_type3A_666 = arith.truncf %reshape3A_665 : vector<2048x256xf32> to vector<2048x256xbf16>
    %concatenate3A_667 = tpu.concatenate %convert_element_type3A_666, %convert_element_type3A_649 in 1 : vector<2048x256xbf16>, vector<2048x1024xbf16> -> vector<2048x1280xbf16>
    %get3A_668 = arith.constant 0 : index
    %get3A_669 = arith.constant 0 : index
    %get3A_670 = vector.load %arg10[%get3A_668, %get3A_669] : memref<1280x256xbf16, #tpu.memory_space<vmem>>, vector<1280x256xbf16>
    %dot_general3A_671 = arith.constant dense<0.000000e+00> : vector<2048x256xf32>
    %dot_general3A_672 = tpu.matmul %concatenate3A_667, %get3A_670, %dot_general3A_671 {dimension_numbers = #tpu.dot_dimension_numbers<[1], [0], [0], [1], [0, 0, 1, 1], [], []>, transpose_lhs_hint = false} : vector<2048x1280xbf16>, vector<1280x256xbf16>, vector<2048x256xf32> -> vector<2048x256xf32>
    %get3A_673 = arith.constant 0 : index
    %get3A_674 = arith.constant 0 : index
    %get3A_675 = vector.load %arg11[%get3A_673, %get3A_674] : memref<1x256xf32, #tpu.memory_space<vmem>>, vector<1x256xf32>
    %add3A_676 = vector.broadcast %get3A_675 : vector<1x256xf32> to vector<2048x256xf32>
    %add3A_677 = arith.addf %dot_general3A_672, %add3A_676 : vector<2048x256xf32>
    %max3A_678 = arith.constant 0.000000e+00 : f32
    %max3A_679 = vector.broadcast %max3A_678 : f32 to vector<2048x256xf32>
    %max3A_680 = arith.maximumf %add3A_677, %max3A_679 : vector<2048x256xf32>
    %convert_element_type3A_681 = arith.truncf %max3A_680 : vector<2048x256xf32> to vector<2048x256xbf16>
    %get3A_682 = arith.constant 0 : index
    %get3A_683 = arith.constant 0 : index
    %get3A_684 = vector.load %arg12[%get3A_682, %get3A_683] : memref<256x64xbf16, #tpu.memory_space<vmem>>, vector<256x64xbf16>
    %dot_general3A_685 = arith.constant dense<0.000000e+00> : vector<2048x64xf32>
    %dot_general3A_686 = tpu.matmul %convert_element_type3A_681, %get3A_684, %dot_general3A_685 {dimension_numbers = #tpu.dot_dimension_numbers<[1], [0], [0], [1], [0, 0, 1, 1], [], []>, transpose_lhs_hint = false} : vector<2048x256xbf16>, vector<256x64xbf16>, vector<2048x64xf32> -> vector<2048x64xf32>
    %get3A_687 = arith.constant 0 : index
    %get3A_688 = arith.constant 0 : index
    %get3A_689 = vector.load %arg13[%get3A_687, %get3A_688] : memref<1x64xf32, #tpu.memory_space<vmem>>, vector<1x64xf32>
    %add3A_690 = vector.broadcast %get3A_689 : vector<1x64xf32> to vector<2048x64xf32>
    %add3A_691 = arith.addf %dot_general3A_686, %add3A_690 : vector<2048x64xf32>
    %max3A_692 = arith.constant 0.000000e+00 : f32
    %max3A_693 = vector.broadcast %max3A_692 : f32 to vector<2048x64xf32>
    %max3A_694 = arith.maximumf %add3A_691, %max3A_693 : vector<2048x64xf32>
    %convert_element_type3A_695 = arith.truncf %max3A_694 : vector<2048x64xf32> to vector<2048x64xbf16>
    %get3A_696 = arith.constant 0 : index
    %get3A_697 = arith.constant 0 : index
    %get3A_698 = vector.load %arg14[%get3A_696, %get3A_697] : memref<64x2xbf16, #tpu.memory_space<vmem>>, vector<64x2xbf16>
    %dot_general3A_699 = arith.constant dense<0.000000e+00> : vector<2048x2xf32>
    %dot_general3A_700 = tpu.matmul %convert_element_type3A_695, %get3A_698, %dot_general3A_699 {dimension_numbers = #tpu.dot_dimension_numbers<[1], [0], [0], [1], [0, 0, 1, 1], [], []>, transpose_lhs_hint = false} : vector<2048x64xbf16>, vector<64x2xbf16>, vector<2048x2xf32> -> vector<2048x2xf32>
    %get3A_701 = arith.constant 0 : index
    %get3A_702 = arith.constant 0 : index
    %get3A_703 = vector.load %arg15[%get3A_701, %get3A_702] : memref<1x2xf32, #tpu.memory_space<vmem>>, vector<1x2xf32>
    %add3A_704 = vector.broadcast %get3A_703 : vector<1x2xf32> to vector<2048x2xf32>
    %add3A_705 = arith.addf %dot_general3A_700, %add3A_704 : vector<2048x2xf32>
    %add3A_706 = arith.addf %get3A_1, %add3A_705 : vector<2048x2xf32>
    %swap3A = arith.constant 0 : index
    %swap3A_707 = arith.constant 0 : index
    %swap3A_708 = vector.load %arg16[%swap3A, %swap3A_707] : memref<2048x2xf32, #tpu.memory_space<vmem>>, vector<2048x2xf32>
    tpu.vector_store %arg16[%swap3A, %swap3A_707], %add3A_706 {strides = array<i32>} : memref<2048x2xf32, #tpu.memory_space<vmem>>, vector<2048x2xf32>,
    return
  }
  func.func @transform_0(%arg0: i32) -> (i32, i32, i32) {
    %c0_i32 = arith.constant 0 : i32
    %c0_i32_0 = arith.constant 0 : i32
    %c0_i32_1 = arith.constant 0 : i32
    return %c0_i32, %arg0, %c0_i32_0 : i32, i32, i32
  }
  func.func @transform_1(%arg0: i32) -> (i32, i32) {
    %c0_i32 = arith.constant 0 : i32
    %c0_i32_0 = arith.constant 0 : i32
    return %arg0, %c0_i32 : i32, i32
  }
  func.func @transform_2(%arg0: i32) -> (i32, i32) {
    %c0_i32 = arith.constant 0 : i32
    %c0_i32_0 = arith.constant 0 : i32
    %c0_i32_1 = arith.constant 0 : i32
    return %c0_i32, %c0_i32_0 : i32, i32
  }
  func.func @transform_3(%arg0: i32) -> (i32, i32, i32) {
    %c0_i32 = arith.constant 0 : i32
    %c0_i32_0 = arith.constant 0 : i32
    %c0_i32_1 = arith.constant 0 : i32
    %c0_i32_2 = arith.constant 0 : i32
    return %c0_i32, %c0_i32_0, %c0_i32_1 : i32, i32, i32
  }
  func.func @transform_4(%arg0: i32) -> (i32, i32) {
    %c0_i32 = arith.constant 0 : i32
    %c0_i32_0 = arith.constant 0 : i32
    %c0_i32_1 = arith.constant 0 : i32
    return %c0_i32, %c0_i32_0 : i32, i32
  }
  func.func @transform_5(%arg0: i32) -> (i32, i32) {
    %c0_i32 = arith.constant 0 : i32
    %c0_i32_0 = arith.constant 0 : i32
    %c0_i32_1 = arith.constant 0 : i32
    return %c0_i32, %c0_i32_0 : i32, i32
  }
  func.func @transform_6(%arg0: i32) -> (i32, i32) {
    %c0_i32 = arith.constant 0 : i32
    %c0_i32_0 = arith.constant 0 : i32
    %c0_i32_1 = arith.constant 0 : i32
    return %c0_i32, %c0_i32_0 : i32, i32
  }
  func.func @transform_7(%arg0: i32) -> (i32, i32) {
    %c0_i32 = arith.constant 0 : i32
    %c0_i32_0 = arith.constant 0 : i32
    %c0_i32_1 = arith.constant 0 : i32
    return %c0_i32, %c0_i32_0 : i32, i32
  }
  func.func @transform_8(%arg0: i32) -> (i32, i32) {
    %c0_i32 = arith.constant 0 : i32
    %c0_i32_0 = arith.constant 0 : i32
    %c0_i32_1 = arith.constant 0 : i32
    return %c0_i32, %c0_i32_0 : i32, i32
  }
  func.func @transform_9(%arg0: i32) -> (i32, i32) {
    %c0_i32 = arith.constant 0 : i32
    %c0_i32_0 = arith.constant 0 : i32
    %c0_i32_1 = arith.constant 0 : i32
    return %c0_i32, %c0_i32_0 : i32, i32
  }
  func.func @transform_10(%arg0: i32) -> (i32, i32) {
    %c0_i32 = arith.constant 0 : i32
    %c0_i32_0 = arith.constant 0 : i32
    %c0_i32_1 = arith.constant 0 : i32
    return %c0_i32, %c0_i32_0 : i32, i32
  }
  func.func @transform_11(%arg0: i32) -> (i32, i32) {
    %c0_i32 = arith.constant 0 : i32
    %c0_i32_0 = arith.constant 0 : i32
    %c0_i32_1 = arith.constant 0 : i32
    return %c0_i32, %c0_i32_0 : i32, i32
  }
  func.func @transform_12(%arg0: i32) -> (i32, i32) {
    %c0_i32 = arith.constant 0 : i32
    %c0_i32_0 = arith.constant 0 : i32
    %c0_i32_1 = arith.constant 0 : i32
    return %c0_i32, %c0_i32_0 : i32, i32
  }
  func.func @transform_13(%arg0: i32) -> (i32, i32) {
    %c0_i32 = arith.constant 0 : i32
    %c0_i32_0 = arith.constant 0 : i32
    %c0_i32_1 = arith.constant 0 : i32
    return %c0_i32, %c0_i32_0 : i32, i32
  }
  func.func @transform_14(%arg0: i32) -> (i32, i32) {
    %c0_i32 = arith.constant 0 : i32
    %c0_i32_0 = arith.constant 0 : i32
    %c0_i32_1 = arith.constant 0 : i32
    return %c0_i32, %c0_i32_0 : i32, i32
  }
  func.func @transform_15(%arg0: i32) -> (i32, i32) {
    %c0_i32 = arith.constant 0 : i32
    %c0_i32_0 = arith.constant 0 : i32
    return %arg0, %c0_i32 : i32, i32
  }
}

</mosaic_0001>

<sc_bundles>
// kernel: _run.5.cloned.1.call-start
scs
__scs_entry_jumppad:
0x0: {  	(pc) =	sbr.rel $0x88, $3  }
0x1: {  	(tag) =	ssettag $0x0;
	lr =	simm.s32 $0x1  }
0x2: {  	[smem:$0x3F77] =	sst lr;
	_ =	strace $0xD0000000  }
0x3: {  	_ = 	snop  }
0x4: {  	_ = 	snop  }
0x5: {  	_ = 	snop  }
0x6: {  	_ = 	snop  }
0x7: {  	_ = 	snop  }
__scs_overlays_trampoline_lowered:
0x8: {  	[smem:$0x3F86] =	sst s0  }
0x9: {  	[smem:$0x3F87] =	sst s1  }
0xa: {  	[smem:$0x3F88] =	sst s2  }
0xb: {  	[smem:$0x3F89] =	sst s3  }
0xc: {  	[smem:$0x3F8A] =	sst s4  }
0xd: {  	[smem:$0x3F8B] =	sst s5  }
0xe: {  	[smem:$0x3F8C] =	sst s6  }
0xf: {  	[smem:$0x3F8D] =	sst s7  }
0x10: {  	[smem:$0x3F8E] =	sst s8  }
0x11: {  	[smem:$0x3F8F] =	sst s9;
	s0 =	simm.s32 @!p0 $0x0  }
0x12: {  	s1 =	sld [smem:$0x3F75];
	s0 =	simm.s32 @p0 $0x1  }
0x13: {  	[smem:$0x3F90] =	sst s0;
	s0 =	simm.s32 @!p1 $0x0  }
0x14: {  	s2 =	sld [smem:$0x3F74];
	s0 =	simm.s32 @p1 $0x1  }
0x15: {  	[smem:$0x3F91] =	sst s0;
	s0 =	simm.s32 @!p2 $0x0  }
0x16: {  	s3 =	sld [smem:$0x3FDB];
	s0 =	simm.s32 @p2 $0x1  }
0x17: {  	s4 =	simm.s32 $0x1BF5;
	[smem:$0x3F93] =	sst s0  }
0x18: {  	s0 =	sld [smem:$0x3F76];
	_ =	swait.ge [sflag:s4], $0x0  }
0x19: {  	s7 =	sld [smem:$0x3F77]  }
0x1a: {  	s8 =	sadd.s32 $0xFFFFE003, lr  }
0x1b: {  	s9 =	sadd.s32 $0xFFFFFEF7, lr;
	s5 =	simm.s32 $0xFFFFFFFF;
	p2 =	slt.u32 s8, $0xFFFFF086  }
0x1c: {  	p1 =	slt.u32 s9, $0xF7A;
	s5 =	simm.s32 @!p2 $0x0  }
0x1d: {  	s5 =	simm.s32 @p1 $0x1;
	p0 =	seq.s32 s7, s2  }
0x1e: {  	s7 =	smul.u32 @!p0 $0xF7A, s2;
	p2 =	seq.s32 @!p0 s5, $0x0  }
0x1f: {  	s9 =	smul.u32 $0xF7A, s1;
	s8 =	simm.s32 @!p0 $0x1BF5;
	p2 =	por !p2, p0  }
0x20: {  	[sflag:s8] =	ssyncset.s32 @!p0 $0xFFFFF086;
	s6 =	sadd.s32 @!p0 s3, s7;
	s7 =	simm.s32 @!p0 $0x108  }
0x21: {  	s3 =	sadd.s32 s3, s9;
	s6 =	sadd.s32 @!p0 $0x88, s6;
	s7 =	simm.s32 @p2 $0x1082  }
0x22: {  	[simem:s7], [sflag:s8] =	dma.local @!p0 [hbm:s6], $0xF7A  }
0x23: {  	s9 =	sor.u32 $0xD0000000, s2;
	s6 =	simm.s32 $0x108;
	_ =	swait.ge @!p0 [sflag:s8], $0x0  }
0x24: {  	s3 =	sadd.s32 $0x88, s3;
	s6 =	simm.s32 @!p1 $0x1082;
	[sflag:s4] =	ssyncset.s32 $0xFFFFF086  }
0x25: {  	[simem:s6], [sflag:s4] =	dma.local [hbm:s3], $0xF7A  }
0x26: {  	[smem:$0x3F77] =	sst s1;
	(tag) =	ssettag s2;
	_ =	strace s9  }
0x27: {  	s1 =	sld [smem:$0x3F87]  }
0x28: {  	s2 =	sld [smem:$0x3F88]  }
0x29: {  	s4 =	sld [smem:$0x3F8A]  }
0x2a: {  	p0 =	seq.s32 s5, $0x0;
	s5 =	sld [smem:$0x3F8B]  }
0x2b: {  	s6 =	sld [smem:$0x3F8C]  }
0x2c: {  	s7 =	sld [smem:$0x3F8D]  }
0x2d: {  	s3 =	simm.s32 $0x108;
	s8 =	sld [smem:$0x3F8E]  }
0x2e: {  	s3 =	simm.s32 @!p0 $0x1082;
	s9 =	sld [smem:$0x3F8F]  }
0x2f: {  	lr =	sadd.s32 s0, s3;
	s0 =	sld [smem:$0x3F86]  }
0x30: {  	s3 =	sld [smem:$0x3F89]  }
0x31: {  	[smem:$0x3F92] =	sst s10  }
0x32: {  	s10 =	sld [smem:$0x3F90];
	_ =	sdelay $0x3  }
0x33: {  	p0 =	seq.s32 s10, $0x1;
	s10 =	sld [smem:$0x3F92];
	_ =	sdelay $0x3  }
0x34: {  	[smem:$0x3F92] =	sst s10  }
0x35: {  	s10 =	sld [smem:$0x3F91];
	_ =	sdelay $0x3  }
0x36: {  	p1 =	seq.s32 s10, $0x1;
	s10 =	sld [smem:$0x3F92];
	_ =	sdelay $0x3  }
0x37: {  	[smem:$0x3F92] =	sst s10  }
0x38: {  	s10 =	sld [smem:$0x3F93]  }
0x39: {  	_ = 	snop;
	(pc) =	sbr.ind lr, $3  }
0x3a: {  	_ = 	snop  }
0x3b: {  	_ = 	snop  }
0x3c: {  	p2 =	seq.s32 s10, $0x1;
	s10 =	sld [smem:$0x3F92]  }
0x3d: {  	_ =	shalt  }
0x3e: {  	_ =	shalt  }
0x3f: {  	_ =	shalt  }
0x40: {  	_ =	shalt  }
0x41: {  	_ =	shalt  }
0x42: {  	_ =	shalt  }
0x43: {  	_ =	shalt  }
0x44: {  	_ =	shalt  }
0x45: {  	_ =	shalt  }
0x46: {  	_ =	shalt  }
0x47: {  	_ =	shalt  }
0x48: {  	_ =	shalt  }
0x49: {  	_ =	shalt  }
0x4a: {  	_ =	shalt  }
0x4b: {  	_ =	shalt  }
0x4c: {  	_ =	shalt  }
0x4d: {  	_ =	shalt  }
0x4e: {  	_ =	shalt  }
0x4f: {  	_ =	shalt  }
0x50: {  	_ =	shalt  }
0x51: {  	_ =	shalt  }
0x52: {  	_ =	shalt  }
0x53: {  	_ =	shalt  }
0x54: {  	_ =	shalt  }
0x55: {  	_ =	shalt  }
0x56: {  	_ =	shalt  }
0x57: {  	_ =	shalt  }
0x58: {  	_ =	shalt  }
0x59: {  	_ =	shalt  }
0x5a: {  	_ =	shalt  }
0x5b: {  	_ =	shalt  }
0x5c: {  	_ =	shalt  }
0x5d: {  	_ =	shalt  }
0x5e: {  	_ =	shalt  }
0x5f: {  	_ =	shalt  }
0x60: {  	_ =	shalt  }
0x61: {  	_ =	shalt  }
0x62: {  	_ =	shalt  }
0x63: {  	_ =	shalt  }
0x64: {  	_ =	shalt  }
0x65: {  	_ =	shalt  }
0x66: {  	_ =	shalt  }
0x67: {  	_ =	shalt  }
0x68: {  	_ =	shalt  }
0x69: {  	_ =	shalt  }
0x6a: {  	_ =	shalt  }
0x6b: {  	_ =	shalt  }
0x6c: {  	_ =	shalt  }
0x6d: {  	_ =	shalt  }
0x6e: {  	_ =	shalt  }
0x6f: {  	_ =	shalt  }
0x70: {  	_ =	shalt  }
0x71: {  	_ =	shalt  }
0x72: {  	_ =	shalt  }
0x73: {  	_ =	shalt  }
0x74: {  	_ =	shalt  }
0x75: {  	_ =	shalt  }
0x76: {  	_ =	shalt  }
0x77: {  	_ =	shalt  }
0x78: {  	_ =	shalt  }
0x79: {  	_ =	shalt  }
0x7a: {  	_ =	shalt  }
0x7b: {  	_ =	shalt  }
0x7c: {  	_ =	shalt  }
0x7d: {  	_ =	shalt  }
0x7e: {  	_ =	shalt  }
0x7f: {  	_ =	shalt  }
0x80: {  	_ =	shalt  }
0x81: {  	_ =	shalt  }
0x82: {  	_ =	shalt  }
0x83: {  	_ =	shalt  }
0x84: {  	_ =	shalt  }
0x85: {  	_ =	shalt  }
0x86: {  	_ =	shalt  }
0x87: {  	_ =	shalt  }
.Lfunc_end0:
.L_simem_size_0:
called_computation_lowered:
.L_overlay_start_0:
0x88: {  	s2 =	sld [smem:$0x3FD9]  }
0x89: {  	s3 =	sld [smem:$0x3FFE];
	_ =	sdelay $0x1  }
0x8a: {  	s1 =	srdreg.scid  }
0x8b: {  	s0 =	sand.u32 $0x1, s1  }
0x8c: {  	s17 =	sshll.u32 s0, $0xA;
	s2 =	sadd.s32 s3, s2  }
0x8d: {  	s2 =	sadd.s32 s2, s17  }
0x8e: {  	[smem:$0x3F9E] =	sst s2  }
0x8f: {  	_ = 	snop  }
0x90: {  	s2 =	sld [smem:$0x3FD0];
	(tm) =	ssettm $0x1  }
0x91: {  	s18 =	sld [smem:$0x3FFB];
	_ =	sdelay $0x3  }
0x92: {  	_ =	strace s18  }
0x93: {  	s3 =	sld [smem:$0x3FFC];
	_ =	sdelay $0x3  }
0x94: {  	_ =	strace s3  }
0x95: {  	s3 =	sld [smem:$0x3FFD];
	_ =	sdelay $0x3  }
0x96: {  	_ =	strace s3  }
0x97: {  	_ =	strace $0x8FFFFFFF  }
0x98: {  	s19 =	sld [smem:$0x3FDB];
	_ =	sdelay $0x1  }
0x99: {  	s4 =	simm.s32 $_scs_section_size  }
0x9a: {  	s5 =	simm.s32 $_size__tile_overlayer_lowered;
	s6 =	simm.s32 $_tile_overlayer_lowered  }
0x9b: {  	s22 =	simm.s32 $0x1BFF;
	s21 =	sshll.u32 s6, $0x1;
	s3 =	sadd.s32 s4, s19  }
0x9c: {  	s7 =	simm.s32 $0x0;
	s20 =	sshll.u32 s5, $0x1;
	s5 =	sadd.s32 s21, s3  }
0x9d: {  	[timem:s7], [sflag:s22] =	dma.local [hbm:s5], s20  }
0x9e: {  	_ =	swait.ge [sflag:s22], s20  }
0x9f: {  	s4 =	ssub.s32 $0x0, s20;
	[sflag:s22] =	ssyncset.done $0x0  }
0xa0: {  	[sflag:s22] =	ssyncadd.s32 s4;
	_ =	sdelay $0x1  }
0xa1: {  	s23 =	simm.s32 $0x1B8B  }
0xa2: {  	_ =	swait.ge [sflag:s23], $0x1  }
0xa3: {  	[sflag:s23] =	ssyncset.done $0x0  }
0xa4: {  	s25 =	simm.s32 $0x1B8E;
	s24 =	sld [smem:$0x3FFE];
	[sflag:s23] =	ssyncadd.s32 $0xFFFFFFFF  }
0xa5: {  	s26 =	simm.s32 $execute0_lowered;
	[smem:$0x3FD2] =	sst s25  }
0xa6: {  	s5 =	sshll.u32 s26, $0x1;
	_ =	strace $0x80000046;
	[dreg:$0x1] =	wrdreg $0xFFFFFFFF  }
0xa7: {  	s28 =	simm.s32 $_size_execute0_lowered;
	s3 =	sadd.s32 s3, s5;
	[dreg:$0x0] =	wrdreg $0x0  }
0xa8: {  	s5 =	sshll.u32 s28, $0x1;
	[dreg:$0x2] =	wrdreg s3  }
0xa9: {  	[dreg:$0x3] =	wrdreg s5  }
0xaa: {  	[dreg:$0x4] =	wrdreg $0xC0  }
0xab: {  	_ =	task [dreg:s7], $0x5FFFF  }
0xac: {  	[dreg:$0x1] =	wrdreg $0xFFFFFFFF  }
0xad: {  	[dreg:$0x0] =	wrdreg $0x60  }
0xae: {  	[dreg:$0x2] =	wrdreg s24  }
0xaf: {  	[dreg:$0x3] =	wrdreg s2  }
0xb0: {  	[dreg:$0x4] =	wrdreg $0x9  }
0xb1: {  	_ =	task.clear_ibuf [dreg:s7], $0x5FFFF;
	_ =	strace $0x90000046  }
0xb2: {  	s29 =	simm.s32 $0x9;
	_ =	strace $0x80000048  }
0xb3: {  	_ =	swait.ge [sflag:s29], $0x1  }
0xb4: {  	[sflag:s29] =	ssyncadd.s32 $0xFFFFFFFF  }
0xb5: {  	_ =	strace $0x90000048  }
0xb6: {  	_ =	sfence  }
0xb7: {  	s30 =	sld [smem:$0x0];
	_ =	sdelay $0x2  }
0xb8: {  	s31 =	sshll.u32 s1, $0xD;
	s1 =	sshrl.u32 s1, $0x2  }
0xb9: {  	s3 =	sand.u32 $0x4000, s31;
	s1 =	sadd.s32 s1, s30  }
0xba: {  	s0 =	sor.u32 s3, s0;
	s1 =	sshll.u32 s1, $0x11  }
0xbb: {  	s0 =	sor.u32 s1, s0  }
0xbc: {  	s0 =	sadd.s32 $0x8F2B, s0  }
0xbd: {  	[sflag:s0] =	ssyncadd.remote.s32 $0x1  }
0xbe: {  	_ =	sfence.sel $0xFFFF  }
0xbf: {  	[dreg:$0x0] =	wrdreg $0xFFFFFFFF;
	(pc) =	sbr.abs _section_cstart, $3  }
0xc0: {  	[dreg:$0x1] =	wrdreg $0xFFFFFFFF  }
0xc1: {  	_ =	task.clear_ibuf [dreg:s7], $0x2FFFF;
	_ =	strace $0x9FFFFFFF  }
0xc2: {  	(tm) =	ssettm $0x7FFFFFFF  }
0xc3: {  	_ =	shalt  }
tec
execute0_lowered:
.L_overlay_start_1:
0x0: {  	(tag) =	ssettag $0x1  }
0x1: {  	s1 =	srdreg.scid  }
0x2: {  	s0 =	stileid.u32;
	s8 =	sand.u32 $0x1, s1  }
0x3: {  	s7 =	rddreg [dreg:$0x0];
	s29 =	sshll.u32 s0, $0x7;
	s2 =	sshll.u32 s8, $0x6  }
0x4: {  	s5 =	rddreg [dreg:$0x1];
	s9 =	sor.u32 s2, s29  }
0x5: {  	s1 =	rddreg [dreg:$0x2];
	s2 =	simm.s32 $0x0;
	s6 =	sshrl.u32 s9, $0x3  }
0x6: {  	[smem:$0x7FF] =	sst s2;
	s3 =	sadd.s32 s6, s7  }
0x7: {  	_ =	strace $0x80000047;
	s4 =	sadd.s32 $0x4E00, s3;
	s3 =	simm.s32 $0x3  }
0x8: {  	[tilespmem:s2], [sflag:$0x3] =	stream.linear.gather [hbm4b:s4+s2], $0x40, $0x38;
	[tilespmem:$0x4200] =	vst v63  }
0x9: {  	_ =	swait.ge [sflag:s3], $0x40  }
0xa: {  	[sflag:s3] =	ssyncset.done $0x0  }
0xb: {  	s5 =	sadd.s32 s5, s6;
	s6 =	simm.s32 $0x80;
	[sflag:s3] =	ssyncadd.s32 $0xFFFFFFC0  }
0xc: {  	[tilespmem:s6], [sflag:$0x3] =	stream.linear.gather [hbm4b:s5+s2], $0x40, $0x38;
	[tilespmem:$0x4200] =	vst v63  }
0xd: {  	_ =	swait.ge [sflag:s3], $0x40  }
0xe: {  	[sflag:s3] =	ssyncset.done $0x0  }
0xf: {  	[sflag:s3] =	ssyncadd.s32 $0xFFFFFFC0  }
0x10: {  	v0 =	vld [tilespmem:$0x30]  }
0x11: {  	v1 =	vld [tilespmem:$0xA0]  }
0x12: {  	v2 =	vld [tilespmem:$0x90]  }
0x13: {  	v4 =	vld [tilespmem:$0xB0]  }
0x14: {  	v3 =	vld [tilespmem:$0x10];
	_ =	sdelay $0x2  }
0x15: {  	v5 =	vmul.f32 $2.500000000e-01, v0;
	v1 =	vmul.f32 $2.500000000e-01, v1  }
0x16: {  	s10 =	sshll.u32 s0, $0xD;
	v2 =	vmul.f32 $2.500000000e-01, v2;
	v4 =	vmul.f32 $2.500000000e-01, v4  }
0x17: {  	s10 =	sand.u32 $0x10000, s10;
	v6 =	vld [tilespmem:$0x20];
	v3 =	vmul.f32 $2.500000000e-01, v3;
	v5 =	vadd.f32 $-5.000000000e-01, v5;
	v7 =	vadd.f32 $-5.000000000e-01, v1  }
0x18: {  	v0 =	vmov s10;
	v2 =	vadd.f32 $-5.000000000e-01, v2;
	v4 =	vadd.f32 $-5.000000000e-01, v4  }
0x19: {  	v3 =	vadd.f32 $-5.000000000e-01, v3;
	v8 =	vtrunc.f32 v5;
	v9 =	vtrunc.f32 v7  }
0x1a: {  	v1 =	vimm.s32 $0x0;
	v11 =	vtrunc.f32 v2;
	v13 =	vtrunc.f32 v4  }
0x1b: {  	v10 =	vcvt.f32.s32 v8;
	vm0 =	vlt.f32 v7, v9;
	v7 =	vtrunc.f32 v3  }
0x1c: {  	vm1 =	vlt.f32 v5, v8;
	v5 =	vmul.f32 $2.500000000e-01, v6;
	v6 =	vcvt.f32.s32 v9  }
0x1d: {  	v12 =	vcvt.f32.s32 v11;
	v8 =	vsel vm0, $0xFFFFFFFF, v1;
	v9 =	vsel vm1, $0xFFFFFFFF, v1  }
0x1e: {  	vm0 =	vlt.f32 v3, v7;
	v7 =	vcvt.f32.s32 v7;
	v3 =	vadd.s32 v6, v8  }
0x1f: {  	v6 =	vsel vm0, $0xFFFFFFFF, v1;
	vm0 =	vlt.f32 v2, v11;
	v2 =	vadd.s32 v10, v9  }
0x20: {  	v5 =	vadd.f32 $-5.000000000e-01, v5;
	v8 =	vsel vm0, $0xFFFFFFFF, v1;
	vm0 =	vgt.s32 v2, $0x0  }
0x21: {  	vm1 =	vgt.s32 v3, $0x0;
	v9 =	vadd.s32 $0x1, v3;
	v6 =	vadd.s32 v7, v6  }
0x22: {  	v10 =	vld [tilespmem:$0x80];
	v2 =	vnsel vm0, $0x0, v2;
	v8 =	vadd.s32 v12, v8;
	vm0 =	vgt.s32 v9, $0x0  }
0x23: {  	v11 =	vnsel vm1, $0x0, v3;
	v2 =	vmin.u32 v2, $0xFF;
	v3 =	vnsel vm0, $0x0, v9  }
0x24: {  	vm0 =	vlt.f32 v4, v13;
	vm1 =	vgt.s32 v8, $0x0;
	v4 =	vadd.s32 $0x1, v8  }
0x25: {  	v9 =	vtrunc.f32 v5;
	v13 =	vcvt.f32.s32 v13;
	v11 =	vmin.u32 v11, $0xFF  }
0x26: {  	v3 =	vmin.u32 v3, $0xFF;
	vm2 =	vgt.s32 v4, $0x0;
	v12 =	vcvt.f32.s32 v9  }
0x27: {  	s8 =	ssub.s32 $0x2, s8;
	v14 =	vsel vm0, $0xFFFFFFFF, v1;
	vm0 =	vlt.f32 v5, v9;
	v10 =	vmul.f32 $2.500000000e-01, v10  }
0x28: {  	s11 =	sshrl.u32 s8, $0x1;
	v8 =	vnsel vm1, $0x0, v8;
	v3 =	vshll.u32 v3, $0x8;
	v4 =	vnsel vm2, $0x0, v4  }
0x29: {  	s31 =	ssub.s32 s8, s11;
	v13 =	vadd.s32 v13, v14;
	vm2 =	vgt.s32 v6, $0x0;
	v5 =	vadd.f32 $-5.000000000e-01, v10  }
0x2a: {  	s17 =	smax.u32 s31, $0x1;
	v7 =	vsel vm0, $0xFFFFFFFF, v1;
	v3 =	vor.u32 v0, v3;
	v9 =	vmin.u32 v4, $0xFF;
	v10 =	vld [tilespmem:$0x0]  }
0x2b: {  	p0 =	sne.s32 s17, $0x1;
	vm3 =	vgt.s32 v13, $0x0;
	v16 =	vadd.s32 v12, v7;
	v14 =	vtrunc.f32 v5  }
.Ltmp0:
0x2c: {  	s12 =	simm.s32 $0x40;
	v4 =	vadd.s32 $0x1, v13;
	vm1 =	vgt.s32 v16, $0x0;
	vm0 =	vlt.f32 v5, v14;
	(pc) =	sbr.rel @!p0 .LBB2_2-.Ltmp0, $4  }
0x2d: {  	s13 =	simm.s32 $0x100;
	s14 =	simm.s32 $0x180;
	s30 =	sshll.u32 s9, $0x4;
	v5 =	vnsel vm2, $0x0, v6;
	v6 =	vshll.u32 v11, $0x8;
	v12 =	vcvt.f32.s32 v14  }
0x2e: {  	s16 =	simm.s32 $0x1;
	s9 =	sadd.s32 $0x5000, s7;
	s7 =	sadd.s32 s30, s7;
	v11 =	vnsel vm3, $0x0, v13;
	v15 =	vsel vm0, $0xFFFFFFFF, v1;
	v7 =	vor.u32 v0, v6  }
0x2f: {  	s15 =	simm.s32 $0x2;
	s11 =	simm.s32 $0x2200;
	s8 =	sadd.s32 $0x205000, s7;
	v6 =	vshll.u32 v9, $0x8;
	vm0 =	vgt.s32 v4, $0x0;
	v9 =	vmul.f32 $2.500000000e-01, v10  }
0x30: {  	s7 =	sadd.s32 $0x20D000, s7;
	s17 =	sadd.s32 $0xFFFFFFFF, s17;
	s10 =	simm.s32 $0x200;
	v12 =	vadd.s32 v12, v15;
	v10 =	vmin.u32 v8, $0xFF;
	v8 =	vnsel vm1, $0x0, v16  }
.LBB2_1:
0x31: {  	p0 =	sne.s32 s17, $0x1;
	s17 =	sadd.s32 $0xFFFFFFFF, s17;
	vm1 =	vgt.s32 v12, $0x0;
	v13 =	vadd.s32 $0x1, v12;
	v11 =	vmin.u32 v11, $0xFF  }
0x32: {  	v9 =	vadd.f32 $-5.000000000e-01, v9;
	v12 =	vnsel vm1, $0x0, v12;
	vm1 =	vgt.s32 v13, $0x0  }
0x33: {  	v10 =	vshll.u32 v10, $0x8;
	v12 =	vmin.u32 v12, $0xFF;
	v13 =	vnsel vm1, $0x0, v13  }
0x34: {  	v14 =	vtrunc.f32 v9;
	v12 =	vshll.u32 v12, $0x8;
	v13 =	vmin.u32 v13, $0xFF  }
0x35: {  	v10 =	vor.u32 v0, v10;
	v12 =	vor.u32 v0, v12;
	v13 =	vshll.u32 v13, $0x8  }
0x36: {  	v8 =	vmin.u32 v8, $0xFF;
	v15 =	vcvt.f32.s32 v14;
	v13 =	vor.u32 v0, v13  }
0x37: {  	v7 =	vor.u32 v8, v7;
	v3 =	vor.u32 v8, v3;
	vm1 =	vlt.f32 v9, v14  }
0x38: {  	v5 =	vmin.u32 v5, $0xFF;
	v6 =	vor.u32 v0, v6;
	v8 =	vsel vm1, $0xFFFFFFFF, v1;
	[tilespmem:$0x120] =	vst v7  }
0x39: {  	v7 =	vor.u32 v5, v10;
	v5 =	vor.u32 v5, v6;
	[tilespmem:$0x1A0] =	vst v3;
	v3 =	vnsel vm0, $0x0, v4  }
0x3a: {  	v6 =	vshll.u32 v11, $0x8;
	v4 =	vadd.s32 v15, v8;
	[tilespmem:$0x110] =	vst v7;
	v3 =	vmin.u32 v3, $0xFF  }
0x3b: {  	vm0 =	vgt.s32 v4, $0x0;
	[tilespmem:$0x190] =	vst v5;
	v5 =	vor.u32 v0, v6;
	v3 =	vshll.u32 v3, $0x8  }
0x3c: {  	v4 =	vnsel vm0, $0x0, v4;
	v5 =	vor.u32 v2, v5;
	v3 =	vor.u32 v0, v3  }
0x3d: {  	v4 =	vmin.u32 v4, $0xFF;
	[tilespmem:$0x130] =	vst v5;
	v2 =	vor.u32 v2, v3  }
0x3e: {  	v3 =	vor.u32 v4, v12;
	v4 =	vor.u32 v4, v13;
	[tilespmem:$0x1B0] =	vst v2  }
0x3f: {  	[tilespmem:$0x100] =	vst v3  }
0x40: {  	[tilespmem:$0x180] =	vst v4  }
0x41: {  	[tilespmem:s10], [sflag:$0x1] =	stream.indirect.gather [hbm4b:s9+s12], $0x80, s13, s12, $0xb8;
	[tilespmem:$0x4200] =	vst v63  }
0x42: {  	_ = 	snop  }
0x43: {  	[tilespmem:s11], [sflag:$0x2] =	stream.indirect.gather [hbm4b:s9+s12], $0x80, s14, s12, $0xb8;
	[tilespmem:$0x4200] =	vst v63  }
0x44: {  	_ =	swait.ge [sflag:s16], $0x2000  }
0x45: {  	[sflag:s16] =	ssyncset.done $0x0  }
0x46: {  	[sflag:s16] =	ssyncadd.s32 $0xFFFFE000  }
0x47: {  	_ =	swait.ge [sflag:s15], $0x2000  }
0x48: {  	[sflag:s15] =	ssyncset.done $0x0  }
0x49: {  	[sflag:s15] =	ssyncadd.s32 $0xFFFFE000  }
0x4a: {  	[hbm4b:s8+s2] =	stream.linear.scatter [tilespmem:s10], [sflag:$0x3], $0x2000, $0x38;
	[tilespmem:$0x4200] =	vst v63  }
0x4b: {  	_ =	swait.ge [sflag:s3], $0x2000  }
0x4c: {  	[sflag:s3] =	ssyncset.done $0x0  }
0x4d: {  	[sflag:s3] =	ssyncadd.s32 $0xFFFFE000  }
0x4e: {  	[hbm4b:s7+s2] =	stream.linear.scatter [tilespmem:s11], [sflag:$0x3], $0x2000, $0x38;
	[tilespmem:$0x4200] =	vst v63  }
0x4f: {  	_ =	swait.ge [sflag:s3], $0x2000  }
0x50: {  	[sflag:s3] =	ssyncset.done $0x0  }
0x51: {  	[sflag:s3] =	ssyncadd.s32 $0xFFFFE000  }
0x52: {  	[tilespmem:s2], [sflag:$0x3] =	stream.linear.gather [hbm4b:s4+s2], $0x40, $0x38;
	[tilespmem:$0x4200] =	vst v63  }
0x53: {  	_ =	swait.ge [sflag:s3], $0x40  }
0x54: {  	[sflag:s3] =	ssyncset.done $0x0  }
0x55: {  	[sflag:s3] =	ssyncadd.s32 $0xFFFFFFC0  }
0x56: {  	[tilespmem:s6], [sflag:$0x3] =	stream.linear.gather [hbm4b:s5+s2], $0x40, $0x38;
	[tilespmem:$0x4200] =	vst v63  }
0x57: {  	_ =	swait.ge [sflag:s3], $0x40  }
0x58: {  	[sflag:s3] =	ssyncset.done $0x0  }
0x59: {  	[sflag:s3] =	ssyncadd.s32 $0xFFFFFFC0  }
0x5a: {  	v2 =	vld [tilespmem:$0x10]  }
0x5b: {  	v3 =	vld [tilespmem:$0x30]  }
0x5c: {  	v4 =	vld [tilespmem:$0xA0]  }
0x5d: {  	v5 =	vld [tilespmem:$0x90];
	_ =	sdelay $0x1  }
0x5e: {  	v6 =	vld [tilespmem:$0xB0]  }
0x5f: {  	v3 =	vmul.f32 $2.500000000e-01, v3  }
0x60: {  	v2 =	vmul.f32 $2.500000000e-01, v2;
	v7 =	vld [tilespmem:$0x20];
	v4 =	vmul.f32 $2.500000000e-01, v4  }
0x61: {  	v5 =	vmul.f32 $2.500000000e-01, v5;
	v3 =	vadd.f32 $-5.000000000e-01, v3  }
0x62: {  	v2 =	vadd.f32 $-5.000000000e-01, v2;
	v4 =	vadd.f32 $-5.000000000e-01, v4  }
0x63: {  	v5 =	vadd.f32 $-5.000000000e-01, v5;
	v6 =	vmul.f32 $2.500000000e-01, v6;
	v8 =	vtrunc.f32 v3  }
0x64: {  	v9 =	vtrunc.f32 v4;
	v10 =	vcvt.f32.s32 v8  }
0x65: {  	vm1 =	vlt.f32 v3, v8;
	v11 =	vtrunc.f32 v5;
	vm0 =	vlt.f32 v4, v9  }
0x66: {  	v3 =	vtrunc.f32 v2;
	v6 =	vadd.f32 $-5.000000000e-01, v6;
	v4 =	vcvt.f32.s32 v11  }
0x67: {  	v7 =	vmul.f32 $2.500000000e-01, v7;
	v8 =	vcvt.f32.s32 v9;
	v9 =	vsel vm0, $0xFFFFFFFF, v1  }
0x68: {  	v12 =	vsel vm1, $0xFFFFFFFF, v1;
	v13 =	vtrunc.f32 v6  }
0x69: {  	vm0 =	vlt.f32 v2, v3;
	v7 =	vadd.f32 $-5.000000000e-01, v7;
	v8 =	vadd.s32 v8, v9  }
0x6a: {  	v2 =	vadd.s32 v10, v12;
	v9 =	vsel vm0, $0xFFFFFFFF, v1;
	vm0 =	vlt.f32 v5, v11  }
0x6b: {  	v5 =	vcvt.f32.s32 v3;
	v3 =	vsel vm0, $0xFFFFFFFF, v1;
	vm0 =	vgt.s32 v2, $0x0  }
0x6c: {  	vm1 =	vgt.s32 v8, $0x0;
	v10 =	vadd.s32 $0x1, v8;
	v2 =	vnsel vm0, $0x0, v2  }
0x6d: {  	v12 =	vadd.s32 v4, v3;
	vm0 =	vgt.s32 v10, $0x0;
	v2 =	vmin.u32 v2, $0xFF;
	v11 =	vld [tilespmem:$0x80]  }
0x6e: {  	v4 =	vnsel vm1, $0x0, v8;
	v3 =	vnsel vm0, $0x0, v10;
	vm0 =	vlt.f32 v6, v13  }
0x6f: {  	vm1 =	vgt.s32 v12, $0x0;
	v6 =	vadd.s32 $0x1, v12;
	v3 =	vmin.u32 v3, $0xFF  }
0x70: {  	v8 =	vtrunc.f32 v7;
	vm2 =	vgt.s32 v6, $0x0;
	v3 =	vshll.u32 v3, $0x8  }
0x71: {  	v14 =	vcvt.f32.s32 v8;
	v13 =	vcvt.f32.s32 v13;
	v3 =	vor.u32 v0, v3;
	v10 =	vld [tilespmem:$0x0]  }
0x72: {  	v15 =	vmin.u32 v4, $0xFF;
	v4 =	vsel vm0, $0xFFFFFFFF, v1;
	v11 =	vmul.f32 $2.500000000e-01, v11  }
0x73: {  	vm0 =	vlt.f32 v7, v8;
	v6 =	vnsel vm2, $0x0, v6;
	v8 =	vadd.s32 v13, v4  }
0x74: {  	v5 =	vadd.s32 v5, v9;
	v6 =	vmin.u32 v6, $0xFF;
	v7 =	vadd.f32 $-5.000000000e-01, v11  }
0x75: {  	vm2 =	vgt.s32 v5, $0x0;
	vm3 =	vgt.s32 v8, $0x0;
	v4 =	vadd.s32 $0x1, v8  }
0x76: {  	v13 =	vnsel vm1, $0x0, v12;
	v11 =	vsel vm0, $0xFFFFFFFF, v1;
	v9 =	vtrunc.f32 v7  }
.Ltmp1:
0x77: {  	v5 =	vnsel vm2, $0x0, v5;
	vm0 =	vlt.f32 v7, v9;
	v7 =	vshll.u32 v15, $0x8;
	(pc) =	sbr.rel @p0 .LBB2_1-.Ltmp1, $4  }
0x78: {  	v14 =	vadd.s32 v14, v11;
	v12 =	vsel vm0, $0xFFFFFFFF, v1;
	v7 =	vor.u32 v0, v7  }
0x79: {  	v6 =	vshll.u32 v6, $0x8;
	v15 =	vcvt.f32.s32 v9;
	vm0 =	vgt.s32 v4, $0x0  }
0x7a: {  	v11 =	vnsel vm3, $0x0, v8;
	vm1 =	vgt.s32 v14, $0x0;
	v9 =	vmul.f32 $2.500000000e-01, v10  }
0x7b: {  	v10 =	vmin.u32 v13, $0xFF;
	v8 =	vnsel vm1, $0x0, v14;
	v12 =	vadd.s32 v15, v12  }
.LBB2_2:
0x7c: {  	vm1 =	vgt.s32 v12, $0x0  }
0x7d: {  	v13 =	vadd.s32 $0x1, v12;
	v11 =	vmin.u32 v11, $0xFF;
	v9 =	vadd.f32 $-5.000000000e-01, v9  }
0x7e: {  	v10 =	vshll.u32 v10, $0x8;
	v8 =	vmin.u32 v8, $0xFF;
	v5 =	vmin.u32 v5, $0xFF  }
0x7f: {  	v6 =	vor.u32 v0, v6;
	v4 =	vnsel vm0, $0x0, v4;
	v57 =	vnsel vm1, $0x0, v12  }
0x80: {  	vm13 =	vgt.s32 v13, $0x0;
	v10 =	vor.u32 v0, v10;
	v7 =	vor.u32 v8, v7  }
0x81: {  	v3 =	vor.u32 v8, v3;
	v59 =	vshll.u32 v11, $0x8;
	v4 =	vmin.u32 v4, $0xFF  }
0x82: {  	v12 =	vmin.u32 v57, $0xFF;
	v13 =	vnsel vm13, $0x0, v13;
	v14 =	vtrunc.f32 v9  }
0x83: {  	v58 =	vor.u32 v5, v10;
	v15 =	vcvt.f32.s32 v14;
	vm14 =	vlt.f32 v9, v14  }
0x84: {  	v5 =	vor.u32 v5, v6;
	[tilespmem:$0x1A0] =	vst v3;
	v3 =	vor.u32 v0, v59;
	v1 =	vsel vm14, $0xFFFFFFFF, v1  }
0x85: {  	[tilespmem:$0x120] =	vst v7;
	v4 =	vshll.u32 v4, $0x8;
	v12 =	vshll.u32 v12, $0x8;
	v1 =	vadd.s32 v15, v1  }
0x86: {  	v13 =	vmin.u32 v13, $0xFF;
	[tilespmem:$0x110] =	vst v58;
	v3 =	vor.u32 v2, v3;
	vm15 =	vgt.s32 v1, $0x0  }
0x87: {  	[tilespmem:$0x190] =	vst v5;
	v4 =	vor.u32 v0, v4;
	v12 =	vor.u32 v0, v12;
	v1 =	vnsel vm15, $0x0, v1  }
0x88: {  	v60 =	vshll.u32 v13, $0x8;
	[tilespmem:$0x130] =	vst v3;
	v61 =	vor.u32 v2, v4;
	v1 =	vmin.u32 v1, $0xFF  }
0x89: {  	v62 =	vor.u32 v0, v60;
	[tilespmem:$0x1B0] =	vst v61;
	v63 =	vor.u32 v1, v12  }
0x8a: {  	v0 =	vor.u32 v1, v62;
	[tilespmem:$0x100] =	vst v63  }
0x8b: {  	[tilespmem:$0x180] =	vst v0  }
0x8c: {  	[tilespmem:s10], [sflag:$0x1] =	stream.indirect.gather [hbm4b:s9+s12], $0x80, s13, s12, $0xb8;
	[tilespmem:$0x4200] =	vst v63  }
0x8d: {  	_ = 	snop  }
0x8e: {  	[tilespmem:s11], [sflag:$0x2] =	stream.indirect.gather [hbm4b:s9+s12], $0x80, s14, s12, $0xb8;
	[tilespmem:$0x4200] =	vst v63  }
0x8f: {  	_ =	swait.ge [sflag:s16], $0x2000  }
0x90: {  	[sflag:s16] =	ssyncset.done $0x0  }
0x91: {  	[sflag:s16] =	ssyncadd.s32 $0xFFFFE000  }
0x92: {  	_ =	swait.ge [sflag:s15], $0x2000  }
0x93: {  	[sflag:s15] =	ssyncset.done $0x0  }
0x94: {  	[sflag:s15] =	ssyncadd.s32 $0xFFFFE000  }
0x95: {  	[hbm4b:s8+s2] =	stream.linear.scatter [tilespmem:s10], [sflag:$0x3], $0x2000, $0x38;
	[tilespmem:$0x4200] =	vst v63  }
0x96: {  	_ =	swait.ge [sflag:s3], $0x2000  }
0x97: {  	[sflag:s3] =	ssyncset.done $0x0  }
0x98: {  	[sflag:s3] =	ssyncadd.s32 $0xFFFFE000  }
0x99: {  	[hbm4b:s7+s2] =	stream.linear.scatter [tilespmem:s11], [sflag:$0x3], $0x2000, $0x38;
	[tilespmem:$0x4200] =	vst v63  }
0x9a: {  	_ =	swait.ge [sflag:s3], $0x2000  }
0x9b: {  	[sflag:s3] =	ssyncset.done $0x0  }
0x9c: {  	[sflag:s3] =	ssyncadd.s32 $0xFFFFE000  }
0x9d: {  	_ =	sfence.sel $0x180000  }
0x9e: {  	[bflag:$0x0] =	sbarrier.arrive $0xFFFF  }
0x9f: {  	p0 =	sne.s32 s0, $0x0;
	_ =	strace $0x90000047  }
0xa0: {  	s0 =	sadd.s32 @!p0 $0x100000, s1;
	[bflag:$0x2] =	sbarrier.arrive $0xFFFF  }
0xa1: {  	[sflag:s0] =	ssyncadd.tile.s32 @!p0 $0x1;
	_ =	shalt  }
.Lfunc_end2:
_tile_overlayer_lowered:
.L_overlay_start_2:
0xa2: {  	(tag) =	ssettag $0x2  }
0xa3: {  	s0 =	rddreg [dreg:$0x0];
	s2 =	stileid.u32  }
0xa4: {  	s1 =	rddreg [dreg:$0x1];
	p0 =	sne.s32 s2, $0x0  }
0xa5: {  	s3 =	rddreg [dreg:$0x2];
	[bflag:$0x3] =	sbarrier.arrive $0xFFFF;
	s2 =	simm.s32 @!p0 $0x1C03  }
0xa6: {  	[timem:s3], [sflag:s2] =	dma.local @!p0 [hbm:s0], s1  }
0xa7: {  	s0 =	simm.s32 @!p0 $0x3  }
0xa8: {  	_ =	swait.ge @!p0 [sflag:s0], s1  }
0xa9: {  	s1 =	ssub.s32 @!p0 $0x0, s1;
	[sflag:s0] =	ssyncset.done @!p0 $0x0  }
0xaa: {  	[sflag:s0] =	ssyncadd.s32 @!p0 s1  }
0xab: {  	[bflag:$0x3] =	sbarrier.arrive $0xFFFF  }
0xac: {  	_ =	shalt  }

</sc_bundles>
